<compile_context>
chip_gen: v7x
topology: tpu7x:2x2x1
jax: 0.10.2.dev20260603
libtpu: 0.0.44.dev20260713+nightly
codegen_flags: <defaults>
</compile_context>

<pallas_src>
import functools

import jax
import jax.numpy as jnp
from jax import lax
from jax.experimental import pallas as pl
from jax.experimental.pallas import tpu as pltpu
from jax.experimental.pallas import tpu_sc as plsc

N = 8192
SB = 256
TB = 1024
BIG = 2 ** 30
RADIUS = 0.001
EPS = 1e-07
PD_EPS = 1e-06
R2 = RADIUS * RADIUS

NUM_SUBCORES = 32
NPER = N // NUM_SUBCORES


def _topk2_body(src_ref, tgt_ref, out_ref, m1, i1, m2, i2):
    jb = pl.program_id(1)
    nj = pl.num_programs(1)

    @pl.when(jb == 0)
    def _init():
        m1[...] = jnp.full((SB, TB), jnp.inf, jnp.float32)
        m2[...] = jnp.full((SB, TB), jnp.inf, jnp.float32)
        i1[...] = jnp.zeros((SB, TB), jnp.int32)
        i2[...] = jnp.zeros((SB, TB), jnp.int32)

    s = src_ref[...]
    t = tgt_ref[...]
    dx = s[:, 0:1] - t[0:1, :]
    dy = s[:, 1:2] - t[1:2, :]
    dz = s[:, 2:3] - t[2:3, :]
    d2 = dx * dx + dy * dy + dz * dz

    jj = lax.broadcasted_iota(jnp.int32, (1, TB), 1) + jb * TB
    jj = jnp.broadcast_to(jj, (SB, TB))

    vm1 = m1[...]
    vm2 = m2[...]
    vi1 = i1[...]
    vi2 = i2[...]
    lt1 = d2 < vm1
    lt2 = d2 < vm2
    m2[...] = jnp.where(lt1, vm1, jnp.where(lt2, d2, vm2))
    i2[...] = jnp.where(lt1, vi1, jnp.where(lt2, jj, vi2))
    m1[...] = jnp.where(lt1, d2, vm1)
    i1[...] = jnp.where(lt1, jj, vi1)

    @pl.when(jb == nj - 1)
    def _finalize():
        fm1 = m1[...]
        fi1 = i1[...]
        fm2 = m2[...]
        fi2 = i2[...]
        rowm1 = jnp.min(fm1, axis=1, keepdims=True)
        ismin = fm1 == rowm1
        ia = jnp.min(jnp.where(ismin, fi1, BIG), axis=1, keepdims=True)
        chosen = ismin & (fi1 == ia)
        m1a = jnp.where(chosen, fm2, fm1)
        i1a = jnp.where(chosen, fi2, fi1)
        rowm2 = jnp.min(m1a, axis=1, keepdims=True)
        idx2 = jnp.min(jnp.where(m1a == rowm2, i1a, BIG), axis=1, keepdims=True)
        out_ref[...] = idx2


def _second_nn_idx(src_pad, tgt_t):
    return pl.pallas_call(
        _topk2_body,
        grid=(N // SB, N // TB),
        in_specs=[
            pl.BlockSpec((SB, 8), lambda ib, jb: (ib, 0)),
            pl.BlockSpec((8, TB), lambda ib, jb: (0, jb)),
        ],
        out_specs=pl.BlockSpec((SB, 1), lambda ib, jb: (ib, 0)),
        out_shape=jax.ShapeDtypeStruct((N, 1), jnp.int32),
        scratch_shapes=[
            pltpu.VMEM((SB, TB), jnp.float32),
            pltpu.VMEM((SB, TB), jnp.int32),
            pltpu.VMEM((SB, TB), jnp.float32),
            pltpu.VMEM((SB, TB), jnp.int32),
        ],
        compiler_params=pltpu.CompilerParams(
            dimension_semantics=("arbitrary", "arbitrary")),
    )(src_pad, tgt_t)


def _match_counts(idx, sx, sy, sz, tx, ty, tz):
    mesh = plsc.VectorSubcoreMesh(core_axis_name="c", subcore_axis_name="s")

    @functools.partial(
        pl.kernel,
        mesh=mesh,
        out_type=jax.ShapeDtypeStruct((NUM_SUBCORES, 16), jnp.float32),
        scratch_types=[
            pltpu.VMEM((NPER,), jnp.int32),
            pltpu.VMEM((NPER,), jnp.float32),
            pltpu.VMEM((NPER,), jnp.float32),
            pltpu.VMEM((NPER,), jnp.float32),
            pltpu.VMEM((NPER,), jnp.float32),
            pltpu.VMEM((NPER,), jnp.float32),
            pltpu.VMEM((NPER,), jnp.float32),
            pltpu.VMEM((16,), jnp.float32),
            pltpu.SemaphoreType.DMA,
        ],
    )
    def k(idx_hbm, sx_hbm, sy_hbm, sz_hbm, tx_hbm, ty_hbm, tz_hbm, out_hbm,
          idx_v, gx_v, gy_v, gz_v, sx_v, sy_v, sz_v, cnt_v, sem):
        wid = lax.axis_index("c") * 16 + lax.axis_index("s")
        base = wid * NPER
        pltpu.sync_copy(idx_hbm.at[pl.ds(base, NPER)], idx_v)
        pltpu.async_copy(tx_hbm.at[idx_v], gx_v, sem).wait()
        pltpu.async_copy(ty_hbm.at[idx_v], gy_v, sem).wait()
        pltpu.async_copy(tz_hbm.at[idx_v], gz_v, sem).wait()
        pltpu.sync_copy(sx_hbm.at[pl.ds(base, NPER)], sx_v)
        pltpu.sync_copy(sy_hbm.at[pl.ds(base, NPER)], sy_v)
        pltpu.sync_copy(sz_hbm.at[pl.ds(base, NPER)], sz_v)
        cnt = jnp.zeros((16,), jnp.float32)
        one = jnp.full((16,), 1.0, jnp.float32)
        zero = jnp.zeros((16,), jnp.float32)
        for i in range(NPER // 16):
            sl = pl.ds(i * 16, 16)
            ax = jnp.abs(sx_v[sl] - gx_v[sl] + PD_EPS)
            ay = jnp.abs(sy_v[sl] - gy_v[sl] + PD_EPS)
            az = jnp.abs(sz_v[sl] - gz_v[sl] + PD_EPS)
            s2 = ax * ax + ay * ay + az * az
            cnt = cnt + jnp.where(s2 < R2, one, zero)
        cnt_v[...] = cnt
        pltpu.sync_copy(cnt_v, out_hbm.at[wid])

    return k(idx, sx, sy, sz, tx, ty, tz)


def kernel(src_coords, tgt_coords):
    src_pad = jnp.pad(src_coords, ((0, 0), (0, 5)))
    tgt_t = jnp.pad(tgt_coords.T, ((0, 5), (0, 0)))
    idx2 = _second_nn_idx(src_pad, tgt_t)[:, 0]

    counts = _match_counts(
        idx2,
        src_coords[:, 0], src_coords[:, 1], src_coords[:, 2],
        tgt_coords[:, 0], tgt_coords[:, 1], tgt_coords[:, 2],
    )
    n1 = jnp.sum(counts)
    n0 = jnp.float32(N) - n1
    lse = jnp.log(n0 * jnp.exp(jnp.float32(EPS))
                  + n1 * jnp.exp(jnp.float32(1.0 + EPS)))
    return jax.nn.softplus(lse)

# --- scband reference (transcript-rebuilt; emitter-appended) ---
"""Pipeline reference for scband-match-loss-63969242906674 (READ-ONLY COPY).

The authoritative reference and input builder live on the scoring server;
editing this copy changes nothing except your own understanding.
"""

import jax, jax.numpy as jnp
import numpy as np

RADIUS = 0.001
EPS = 1e-07
PD_EPS = 1e-06  # torch nn.PairwiseDistance default eps


def return_distance(src, tgt):
    # Pairwise Euclidean distance matrix [N_src, N_tgt]
    d2 = (jnp.sum(src ** 2, axis=1)[:, None]
          + jnp.sum(tgt ** 2, axis=1)[None, :]
          - 2.0 * src @ tgt.T)
    return jnp.sqrt(jnp.maximum(d2, 0.0))


def setup_inputs(seed: int = 0):
    key = jax.random.key(seed)
    k1, k2 = jax.random.split(key)
    src_coords = jax.random.uniform(k1, (8192, 3), dtype=jnp.float32)
    tgt_coords = jax.random.uniform(k2, (8192, 3), dtype=jnp.float32)
    return {"src_coords": src_coords, "tgt_coords": tgt_coords}


def reference(src_coords, tgt_coords):
    dist = return_distance(src_coords, tgt_coords)
    # topk(k=2, largest=False, sorted=True) -> indices of 2 smallest per row
    _, idx = jax.lax.top_k(-dist, 2)
    idx = idx[:, 1]  # second nearest neighbor index per src point
    tgt_sel = tgt_coords[idx]  # gather [N_src, 3]
    # torch nn.PairwiseDistance(p=2, eps=1e-6): (sum |x - y + eps|^2)^(1/2)
    pdist = jnp.power(jnp.sum(jnp.abs(src_coords - tgt_sel + PD_EPS) ** 2, axis=-1), 0.5)
    match_bool = (pdist < RADIUS).astype(jnp.float32)
    lse = jax.nn.logsumexp(match_bool + EPS, axis=0)
    return jax.nn.softplus(lse)

if __name__ == "__main__":
    import jax
    _d = setup_inputs()
    print(jax.jit(kernel)(*tuple(_d.values())))

</pallas_src>

<mosaic_0001>
#map = affine_map<(d0, d1) -> (0)>
#map1 = affine_map<(d0, d1) -> (0, 0)>
module attributes {stable_mosaic.version = 14 : i64} {
  func.func @k(%arg0: i32, %arg1: i32, %arg2: memref<8192xi32, #tpu.memory_space<hbm>>, %arg3: memref<8192xf32, #tpu.memory_space<hbm>>, %arg4: memref<8192xf32, #tpu.memory_space<hbm>>, %arg5: memref<8192xf32, #tpu.memory_space<hbm>>, %arg6: memref<8192xf32, #tpu.memory_space<hbm>>, %arg7: memref<8192xf32, #tpu.memory_space<hbm>>, %arg8: memref<8192xf32, #tpu.memory_space<hbm>>, %arg9: memref<32x16xf32, #tpu.memory_space<hbm>>, %arg10: memref<256xi32, #tpu.memory_space<vmem>>, %arg11: memref<256xf32, #tpu.memory_space<vmem>>, %arg12: memref<256xf32, #tpu.memory_space<vmem>>, %arg13: memref<256xf32, #tpu.memory_space<vmem>>, %arg14: memref<256xf32, #tpu.memory_space<vmem>>, %arg15: memref<256xf32, #tpu.memory_space<vmem>>, %arg16: memref<256xf32, #tpu.memory_space<vmem>>, %arg17: memref<16xf32, #tpu.memory_space<vmem>>, %arg18: memref<!tpu.dma_semaphore, #tpu.memory_space<semaphore_mem>>) attributes {dimension_semantics = [#tpu.dimension_semantics<core_parallel>, #tpu.dimension_semantics<subcore_parallel>], iteration_bounds = array<i64: 2, 16>, scalar_prefetch = 0 : i64, scratch_operands = 9 : i64, tpu.core_type = #tpu.core_type<sc_vector_subcore>, window_params = [{transform_indices = #map}, {transform_indices = #map}, {transform_indices = #map}, {transform_indices = #map}, {transform_indices = #map}, {transform_indices = #map}, {transform_indices = #map}, {transform_indices = #map1}]} {
    %mul3A = arith.constant 16 : i32
    %mul3A_0 = arith.muli %arg0, %mul3A : i32
    %add3A = arith.addi %mul3A_0, %arg1 : i32
    %mul3A_1 = arith.constant 256 : i32
    %mul3A_2 = arith.muli %add3A, %mul3A_1 : i32
    "tpu.region"() ({
      %run_scoped3A = tpu.sem_alloc : memref<!tpu.dma_semaphore, #tpu.memory_space<semaphore_mem>>
      %dma_start3A_704 = tpu.memref_slice %arg2[%mul3A_2] : memref<8192xi32, #tpu.memory_space<hbm>> -> memref<256xi32, #tpu.memory_space<hbm>>
      %dma_start3A_705 = tpu.memref_slice %arg2[%mul3A_2] : memref<8192xi32, #tpu.memory_space<hbm>> -> memref<256xi32, #tpu.memory_space<hbm>>
      tpu.enqueue_dma source(%dma_start3A_705 : memref<256xi32, #tpu.memory_space<hbm>>) target(%arg10 : memref<256xi32, #tpu.memory_space<vmem>>) target_semaphore(%run_scoped3A : memref<!tpu.dma_semaphore, #tpu.memory_space<semaphore_mem>>)
      %dma_wait3A_706 = tpu.memref_slice %arg2[%mul3A_2] : memref<8192xi32, #tpu.memory_space<hbm>> -> memref<256xi32, #tpu.memory_space<hbm>>
      %dma_wait3A_707 = tpu.memref_slice %arg2[%mul3A_2] : memref<8192xi32, #tpu.memory_space<hbm>> -> memref<256xi32, #tpu.memory_space<hbm>>
      tpu.wait_dma2 semaphore(%run_scoped3A : memref<!tpu.dma_semaphore, #tpu.memory_space<semaphore_mem>>) src(%dma_wait3A_707 : memref<256xi32, #tpu.memory_space<hbm>>) dst(%arg10 : memref<256xi32, #tpu.memory_space<vmem>>)
      tpu.yield
    }) : () -> ()
    %dma_start3A = arith.constant 0 : i32
    %dma_start3A_3 = tpu.memref_slice %arg6[%dma_start3A] : memref<8192xf32, #tpu.memory_space<hbm>> -> memref<8192xf32, #tpu.memory_space<hbm>>
    tpu.enqueue_indirect_dma source(%dma_start3A_3 : memref<8192xf32, #tpu.memory_space<hbm>>) target(%arg11 : memref<256xf32, #tpu.memory_space<vmem>>) offsets(%arg10 : memref<256xi32, #tpu.memory_space<vmem>>) semaphore(%arg18 : memref<!tpu.dma_semaphore, #tpu.memory_space<semaphore_mem>>)
    %dma_wait3A = arith.constant 0 : i32
    %dma_wait3A_4 = tpu.memref_slice %arg6[%dma_wait3A] : memref<8192xf32, #tpu.memory_space<hbm>> -> memref<8192xf32, #tpu.memory_space<hbm>>
    tpu.wait_indirect_dma semaphore(%arg18 : memref<!tpu.dma_semaphore, #tpu.memory_space<semaphore_mem>>) src(%dma_wait3A_4 : memref<8192xf32, #tpu.memory_space<hbm>>) dst(%arg11 : memref<256xf32, #tpu.memory_space<vmem>>)
    %dma_start3A_5 = arith.constant 0 : i32
    %dma_start3A_6 = tpu.memref_slice %arg7[%dma_start3A_5] : memref<8192xf32, #tpu.memory_space<hbm>> -> memref<8192xf32, #tpu.memory_space<hbm>>
    tpu.enqueue_indirect_dma source(%dma_start3A_6 : memref<8192xf32, #tpu.memory_space<hbm>>) target(%arg12 : memref<256xf32, #tpu.memory_space<vmem>>) offsets(%arg10 : memref<256xi32, #tpu.memory_space<vmem>>) semaphore(%arg18 : memref<!tpu.dma_semaphore, #tpu.memory_space<semaphore_mem>>)
    %dma_wait3A_7 = arith.constant 0 : i32
    %dma_wait3A_8 = tpu.memref_slice %arg7[%dma_wait3A_7] : memref<8192xf32, #tpu.memory_space<hbm>> -> memref<8192xf32, #tpu.memory_space<hbm>>
    tpu.wait_indirect_dma semaphore(%arg18 : memref<!tpu.dma_semaphore, #tpu.memory_space<semaphore_mem>>) src(%dma_wait3A_8 : memref<8192xf32, #tpu.memory_space<hbm>>) dst(%arg12 : memref<256xf32, #tpu.memory_space<vmem>>)
    %dma_start3A_9 = arith.constant 0 : i32
    %dma_start3A_10 = tpu.memref_slice %arg8[%dma_start3A_9] : memref<8192xf32, #tpu.memory_space<hbm>> -> memref<8192xf32, #tpu.memory_space<hbm>>
    tpu.enqueue_indirect_dma source(%dma_start3A_10 : memref<8192xf32, #tpu.memory_space<hbm>>) target(%arg13 : memref<256xf32, #tpu.memory_space<vmem>>) offsets(%arg10 : memref<256xi32, #tpu.memory_space<vmem>>) semaphore(%arg18 : memref<!tpu.dma_semaphore, #tpu.memory_space<semaphore_mem>>)
    %dma_wait3A_11 = arith.constant 0 : i32
    %dma_wait3A_12 = tpu.memref_slice %arg8[%dma_wait3A_11] : memref<8192xf32, #tpu.memory_space<hbm>> -> memref<8192xf32, #tpu.memory_space<hbm>>
    tpu.wait_indirect_dma semaphore(%arg18 : memref<!tpu.dma_semaphore, #tpu.memory_space<semaphore_mem>>) src(%dma_wait3A_12 : memref<8192xf32, #tpu.memory_space<hbm>>) dst(%arg13 : memref<256xf32, #tpu.memory_space<vmem>>)
    "tpu.region"() ({
      %run_scoped3A = tpu.sem_alloc : memref<!tpu.dma_semaphore, #tpu.memory_space<semaphore_mem>>
      %dma_start3A_704 = tpu.memref_slice %arg3[%mul3A_2] : memref<8192xf32, #tpu.memory_space<hbm>> -> memref<256xf32, #tpu.memory_space<hbm>>
      %dma_start3A_705 = tpu.memref_slice %arg3[%mul3A_2] : memref<8192xf32, #tpu.memory_space<hbm>> -> memref<256xf32, #tpu.memory_space<hbm>>
      tpu.enqueue_dma source(%dma_start3A_705 : memref<256xf32, #tpu.memory_space<hbm>>) target(%arg14 : memref<256xf32, #tpu.memory_space<vmem>>) target_semaphore(%run_scoped3A : memref<!tpu.dma_semaphore, #tpu.memory_space<semaphore_mem>>)
      %dma_wait3A_706 = tpu.memref_slice %arg3[%mul3A_2] : memref<8192xf32, #tpu.memory_space<hbm>> -> memref<256xf32, #tpu.memory_space<hbm>>
      %dma_wait3A_707 = tpu.memref_slice %arg3[%mul3A_2] : memref<8192xf32, #tpu.memory_space<hbm>> -> memref<256xf32, #tpu.memory_space<hbm>>
      tpu.wait_dma2 semaphore(%run_scoped3A : memref<!tpu.dma_semaphore, #tpu.memory_space<semaphore_mem>>) src(%dma_wait3A_707 : memref<256xf32, #tpu.memory_space<hbm>>) dst(%arg14 : memref<256xf32, #tpu.memory_space<vmem>>)
      tpu.yield
    }) : () -> ()
    "tpu.region"() ({
      %run_scoped3A = tpu.sem_alloc : memref<!tpu.dma_semaphore, #tpu.memory_space<semaphore_mem>>
      %dma_start3A_704 = tpu.memref_slice %arg4[%mul3A_2] : memref<8192xf32, #tpu.memory_space<hbm>> -> memref<256xf32, #tpu.memory_space<hbm>>
      %dma_start3A_705 = tpu.memref_slice %arg4[%mul3A_2] : memref<8192xf32, #tpu.memory_space<hbm>> -> memref<256xf32, #tpu.memory_space<hbm>>
      tpu.enqueue_dma source(%dma_start3A_705 : memref<256xf32, #tpu.memory_space<hbm>>) target(%arg15 : memref<256xf32, #tpu.memory_space<vmem>>) target_semaphore(%run_scoped3A : memref<!tpu.dma_semaphore, #tpu.memory_space<semaphore_mem>>)
      %dma_wait3A_706 = tpu.memref_slice %arg4[%mul3A_2] : memref<8192xf32, #tpu.memory_space<hbm>> -> memref<256xf32, #tpu.memory_space<hbm>>
      %dma_wait3A_707 = tpu.memref_slice %arg4[%mul3A_2] : memref<8192xf32, #tpu.memory_space<hbm>> -> memref<256xf32, #tpu.memory_space<hbm>>
      tpu.wait_dma2 semaphore(%run_scoped3A : memref<!tpu.dma_semaphore, #tpu.memory_space<semaphore_mem>>) src(%dma_wait3A_707 : memref<256xf32, #tpu.memory_space<hbm>>) dst(%arg15 : memref<256xf32, #tpu.memory_space<vmem>>)
      tpu.yield
    }) : () -> ()
    "tpu.region"() ({
      %run_scoped3A = tpu.sem_alloc : memref<!tpu.dma_semaphore, #tpu.memory_space<semaphore_mem>>
      %dma_start3A_704 = tpu.memref_slice %arg5[%mul3A_2] : memref<8192xf32, #tpu.memory_space<hbm>> -> memref<256xf32, #tpu.memory_space<hbm>>
      %dma_start3A_705 = tpu.memref_slice %arg5[%mul3A_2] : memref<8192xf32, #tpu.memory_space<hbm>> -> memref<256xf32, #tpu.memory_space<hbm>>
      tpu.enqueue_dma source(%dma_start3A_705 : memref<256xf32, #tpu.memory_space<hbm>>) target(%arg16 : memref<256xf32, #tpu.memory_space<vmem>>) target_semaphore(%run_scoped3A : memref<!tpu.dma_semaphore, #tpu.memory_space<semaphore_mem>>)
      %dma_wait3A_706 = tpu.memref_slice %arg5[%mul3A_2] : memref<8192xf32, #tpu.memory_space<hbm>> -> memref<256xf32, #tpu.memory_space<hbm>>
      %dma_wait3A_707 = tpu.memref_slice %arg5[%mul3A_2] : memref<8192xf32, #tpu.memory_space<hbm>> -> memref<256xf32, #tpu.memory_space<hbm>>
      tpu.wait_dma2 semaphore(%run_scoped3A : memref<!tpu.dma_semaphore, #tpu.memory_space<semaphore_mem>>) src(%dma_wait3A_707 : memref<256xf32, #tpu.memory_space<hbm>>) dst(%arg16 : memref<256xf32, #tpu.memory_space<vmem>>)
      tpu.yield
    }) : () -> ()
    %broadcast_in_dim3A = arith.constant 0.000000e+00 : f32
    %broadcast_in_dim3A_13 = vector.broadcast %broadcast_in_dim3A : f32 to vector<16xf32>
    %broadcast_in_dim3A_14 = arith.constant 1.000000e+00 : f32
    %broadcast_in_dim3A_15 = vector.broadcast %broadcast_in_dim3A_14 : f32 to vector<16xf32>
    %broadcast_in_dim3A_16 = arith.constant 0.000000e+00 : f32
    %broadcast_in_dim3A_17 = vector.broadcast %broadcast_in_dim3A_16 : f32 to vector<16xf32>
    %get3A = arith.constant 0 : index
    %get3A_18 = tpu.vector_load %arg14[%get3A] {strides = array<i32>} : memref<256xf32, #tpu.memory_space<vmem>>, vector<16xf32>,
    %get3A_19 = vector.shape_cast %get3A_18 : vector<16xf32> to vector<16xf32>
    %get3A_20 = arith.constant 0 : index
    %get3A_21 = tpu.vector_load %arg11[%get3A_20] {strides = array<i32>} : memref<256xf32, #tpu.memory_space<vmem>>, vector<16xf32>,
    %get3A_22 = vector.shape_cast %get3A_21 : vector<16xf32> to vector<16xf32>
    %sub3A = arith.subf %get3A_19, %get3A_22 : vector<16xf32>
    %add3A_23 = arith.constant 9.99999997E-7 : f32
    %add3A_24 = vector.broadcast %add3A_23 : f32 to vector<16xf32>
    %add3A_25 = arith.addf %sub3A, %add3A_24 : vector<16xf32>
    %abs3A = math.absf %add3A_25 : vector<16xf32>
    %get3A_26 = arith.constant 0 : index
    %get3A_27 = tpu.vector_load %arg15[%get3A_26] {strides = array<i32>} : memref<256xf32, #tpu.memory_space<vmem>>, vector<16xf32>,
    %get3A_28 = vector.shape_cast %get3A_27 : vector<16xf32> to vector<16xf32>
    %get3A_29 = arith.constant 0 : index
    %get3A_30 = tpu.vector_load %arg12[%get3A_29] {strides = array<i32>} : memref<256xf32, #tpu.memory_space<vmem>>, vector<16xf32>,
    %get3A_31 = vector.shape_cast %get3A_30 : vector<16xf32> to vector<16xf32>
    %sub3A_32 = arith.subf %get3A_28, %get3A_31 : vector<16xf32>
    %add3A_33 = arith.constant 9.99999997E-7 : f32
    %add3A_34 = vector.broadcast %add3A_33 : f32 to vector<16xf32>
    %add3A_35 = arith.addf %sub3A_32, %add3A_34 : vector<16xf32>
    %abs3A_36 = math.absf %add3A_35 : vector<16xf32>
    %get3A_37 = arith.constant 0 : index
    %get3A_38 = tpu.vector_load %arg16[%get3A_37] {strides = array<i32>} : memref<256xf32, #tpu.memory_space<vmem>>, vector<16xf32>,
    %get3A_39 = vector.shape_cast %get3A_38 : vector<16xf32> to vector<16xf32>
    %get3A_40 = arith.constant 0 : index
    %get3A_41 = tpu.vector_load %arg13[%get3A_40] {strides = array<i32>} : memref<256xf32, #tpu.memory_space<vmem>>, vector<16xf32>,
    %get3A_42 = vector.shape_cast %get3A_41 : vector<16xf32> to vector<16xf32>
    %sub3A_43 = arith.subf %get3A_39, %get3A_42 : vector<16xf32>
    %add3A_44 = arith.constant 9.99999997E-7 : f32
    %add3A_45 = vector.broadcast %add3A_44 : f32 to vector<16xf32>
    %add3A_46 = arith.addf %sub3A_43, %add3A_45 : vector<16xf32>
    %abs3A_47 = math.absf %add3A_46 : vector<16xf32>
    %mul3A_48 = arith.mulf %abs3A, %abs3A : vector<16xf32>
    %mul3A_49 = arith.mulf %abs3A_36, %abs3A_36 : vector<16xf32>
    %add3A_50 = arith.addf %mul3A_48, %mul3A_49 : vector<16xf32>
    %mul3A_51 = arith.mulf %abs3A_47, %abs3A_47 : vector<16xf32>
    %add3A_52 = arith.addf %add3A_50, %mul3A_51 : vector<16xf32>
    %lt3A = arith.constant 9.99999997E-7 : f32
    %lt3A_53 = vector.broadcast %lt3A : f32 to vector<16xf32>
    %lt3A_54 = arith.cmpf olt, %add3A_52, %lt3A_53 : vector<16xf32>
    %select_n3A = arith.select %lt3A_54, %broadcast_in_dim3A_15, %broadcast_in_dim3A_17 : vector<16xi1>, vector<16xf32>
    %add3A_55 = arith.addf %broadcast_in_dim3A_13, %select_n3A : vector<16xf32>
    %get3A_56 = arith.constant 16 : index
    %get3A_57 = tpu.vector_load %arg14[%get3A_56] {strides = array<i32>} : memref<256xf32, #tpu.memory_space<vmem>>, vector<16xf32>,
    %get3A_58 = vector.shape_cast %get3A_57 : vector<16xf32> to vector<16xf32>
    %get3A_59 = arith.constant 16 : index
    %get3A_60 = tpu.vector_load %arg11[%get3A_59] {strides = array<i32>} : memref<256xf32, #tpu.memory_space<vmem>>, vector<16xf32>,
    %get3A_61 = vector.shape_cast %get3A_60 : vector<16xf32> to vector<16xf32>
    %sub3A_62 = arith.subf %get3A_58, %get3A_61 : vector<16xf32>
    %add3A_63 = arith.constant 9.99999997E-7 : f32
    %add3A_64 = vector.broadcast %add3A_63 : f32 to vector<16xf32>
    %add3A_65 = arith.addf %sub3A_62, %add3A_64 : vector<16xf32>
    %abs3A_66 = math.absf %add3A_65 : vector<16xf32>
    %get3A_67 = arith.constant 16 : index
    %get3A_68 = tpu.vector_load %arg15[%get3A_67] {strides = array<i32>} : memref<256xf32, #tpu.memory_space<vmem>>, vector<16xf32>,
    %get3A_69 = vector.shape_cast %get3A_68 : vector<16xf32> to vector<16xf32>
    %get3A_70 = arith.constant 16 : index
    %get3A_71 = tpu.vector_load %arg12[%get3A_70] {strides = array<i32>} : memref<256xf32, #tpu.memory_space<vmem>>, vector<16xf32>,
    %get3A_72 = vector.shape_cast %get3A_71 : vector<16xf32> to vector<16xf32>
    %sub3A_73 = arith.subf %get3A_69, %get3A_72 : vector<16xf32>
    %add3A_74 = arith.constant 9.99999997E-7 : f32
    %add3A_75 = vector.broadcast %add3A_74 : f32 to vector<16xf32>
    %add3A_76 = arith.addf %sub3A_73, %add3A_75 : vector<16xf32>
    %abs3A_77 = math.absf %add3A_76 : vector<16xf32>
    %get3A_78 = arith.constant 16 : index
    %get3A_79 = tpu.vector_load %arg16[%get3A_78] {strides = array<i32>} : memref<256xf32, #tpu.memory_space<vmem>>, vector<16xf32>,
    %get3A_80 = vector.shape_cast %get3A_79 : vector<16xf32> to vector<16xf32>
    %get3A_81 = arith.constant 16 : index
    %get3A_82 = tpu.vector_load %arg13[%get3A_81] {strides = array<i32>} : memref<256xf32, #tpu.memory_space<vmem>>, vector<16xf32>,
    %get3A_83 = vector.shape_cast %get3A_82 : vector<16xf32> to vector<16xf32>
    %sub3A_84 = arith.subf %get3A_80, %get3A_83 : vector<16xf32>
    %add3A_85 = arith.constant 9.99999997E-7 : f32
    %add3A_86 = vector.broadcast %add3A_85 : f32 to vector<16xf32>
    %add3A_87 = arith.addf %sub3A_84, %add3A_86 : vector<16xf32>
    %abs3A_88 = math.absf %add3A_87 : vector<16xf32>
    %mul3A_89 = arith.mulf %abs3A_66, %abs3A_66 : vector<16xf32>
    %mul3A_90 = arith.mulf %abs3A_77, %abs3A_77 : vector<16xf32>
    %add3A_91 = arith.addf %mul3A_89, %mul3A_90 : vector<16xf32>
    %mul3A_92 = arith.mulf %abs3A_88, %abs3A_88 : vector<16xf32>
    %add3A_93 = arith.addf %add3A_91, %mul3A_92 : vector<16xf32>
    %lt3A_94 = arith.constant 9.99999997E-7 : f32
    %lt3A_95 = vector.broadcast %lt3A_94 : f32 to vector<16xf32>
    %lt3A_96 = arith.cmpf olt, %add3A_93, %lt3A_95 : vector<16xf32>
    %select_n3A_97 = arith.select %lt3A_96, %broadcast_in_dim3A_15, %broadcast_in_dim3A_17 : vector<16xi1>, vector<16xf32>
    %add3A_98 = arith.addf %add3A_55, %select_n3A_97 : vector<16xf32>
    %get3A_99 = arith.constant 32 : index
    %get3A_100 = tpu.vector_load %arg14[%get3A_99] {strides = array<i32>} : memref<256xf32, #tpu.memory_space<vmem>>, vector<16xf32>,
    %get3A_101 = vector.shape_cast %get3A_100 : vector<16xf32> to vector<16xf32>
    %get3A_102 = arith.constant 32 : index
    %get3A_103 = tpu.vector_load %arg11[%get3A_102] {strides = array<i32>} : memref<256xf32, #tpu.memory_space<vmem>>, vector<16xf32>,
    %get3A_104 = vector.shape_cast %get3A_103 : vector<16xf32> to vector<16xf32>
    %sub3A_105 = arith.subf %get3A_101, %get3A_104 : vector<16xf32>
    %add3A_106 = arith.constant 9.99999997E-7 : f32
    %add3A_107 = vector.broadcast %add3A_106 : f32 to vector<16xf32>
    %add3A_108 = arith.addf %sub3A_105, %add3A_107 : vector<16xf32>
    %abs3A_109 = math.absf %add3A_108 : vector<16xf32>
    %get3A_110 = arith.constant 32 : index
    %get3A_111 = tpu.vector_load %arg15[%get3A_110] {strides = array<i32>} : memref<256xf32, #tpu.memory_space<vmem>>, vector<16xf32>,
    %get3A_112 = vector.shape_cast %get3A_111 : vector<16xf32> to vector<16xf32>
    %get3A_113 = arith.constant 32 : index
    %get3A_114 = tpu.vector_load %arg12[%get3A_113] {strides = array<i32>} : memref<256xf32, #tpu.memory_space<vmem>>, vector<16xf32>,
    %get3A_115 = vector.shape_cast %get3A_114 : vector<16xf32> to vector<16xf32>
    %sub3A_116 = arith.subf %get3A_112, %get3A_115 : vector<16xf32>
    %add3A_117 = arith.constant 9.99999997E-7 : f32
    %add3A_118 = vector.broadcast %add3A_117 : f32 to vector<16xf32>
    %add3A_119 = arith.addf %sub3A_116, %add3A_118 : vector<16xf32>
    %abs3A_120 = math.absf %add3A_119 : vector<16xf32>
    %get3A_121 = arith.constant 32 : index
    %get3A_122 = tpu.vector_load %arg16[%get3A_121] {strides = array<i32>} : memref<256xf32, #tpu.memory_space<vmem>>, vector<16xf32>,
    %get3A_123 = vector.shape_cast %get3A_122 : vector<16xf32> to vector<16xf32>
    %get3A_124 = arith.constant 32 : index
    %get3A_125 = tpu.vector_load %arg13[%get3A_124] {strides = array<i32>} : memref<256xf32, #tpu.memory_space<vmem>>, vector<16xf32>,
    %get3A_126 = vector.shape_cast %get3A_125 : vector<16xf32> to vector<16xf32>
    %sub3A_127 = arith.subf %get3A_123, %get3A_126 : vector<16xf32>
    %add3A_128 = arith.constant 9.99999997E-7 : f32
    %add3A_129 = vector.broadcast %add3A_128 : f32 to vector<16xf32>
    %add3A_130 = arith.addf %sub3A_127, %add3A_129 : vector<16xf32>
    %abs3A_131 = math.absf %add3A_130 : vector<16xf32>
    %mul3A_132 = arith.mulf %abs3A_109, %abs3A_109 : vector<16xf32>
    %mul3A_133 = arith.mulf %abs3A_120, %abs3A_120 : vector<16xf32>
    %add3A_134 = arith.addf %mul3A_132, %mul3A_133 : vector<16xf32>
    %mul3A_135 = arith.mulf %abs3A_131, %abs3A_131 : vector<16xf32>
    %add3A_136 = arith.addf %add3A_134, %mul3A_135 : vector<16xf32>
    %lt3A_137 = arith.constant 9.99999997E-7 : f32
    %lt3A_138 = vector.broadcast %lt3A_137 : f32 to vector<16xf32>
    %lt3A_139 = arith.cmpf olt, %add3A_136, %lt3A_138 : vector<16xf32>
    %select_n3A_140 = arith.select %lt3A_139, %broadcast_in_dim3A_15, %broadcast_in_dim3A_17 : vector<16xi1>, vector<16xf32>
    %add3A_141 = arith.addf %add3A_98, %select_n3A_140 : vector<16xf32>
    %get3A_142 = arith.constant 48 : index
    %get3A_143 = tpu.vector_load %arg14[%get3A_142] {strides = array<i32>} : memref<256xf32, #tpu.memory_space<vmem>>, vector<16xf32>,
    %get3A_144 = vector.shape_cast %get3A_143 : vector<16xf32> to vector<16xf32>
    %get3A_145 = arith.constant 48 : index
    %get3A_146 = tpu.vector_load %arg11[%get3A_145] {strides = array<i32>} : memref<256xf32, #tpu.memory_space<vmem>>, vector<16xf32>,
    %get3A_147 = vector.shape_cast %get3A_146 : vector<16xf32> to vector<16xf32>
    %sub3A_148 = arith.subf %get3A_144, %get3A_147 : vector<16xf32>
    %add3A_149 = arith.constant 9.99999997E-7 : f32
    %add3A_150 = vector.broadcast %add3A_149 : f32 to vector<16xf32>
    %add3A_151 = arith.addf %sub3A_148, %add3A_150 : vector<16xf32>
    %abs3A_152 = math.absf %add3A_151 : vector<16xf32>
    %get3A_153 = arith.constant 48 : index
    %get3A_154 = tpu.vector_load %arg15[%get3A_153] {strides = array<i32>} : memref<256xf32, #tpu.memory_space<vmem>>, vector<16xf32>,
    %get3A_155 = vector.shape_cast %get3A_154 : vector<16xf32> to vector<16xf32>
    %get3A_156 = arith.constant 48 : index
    %get3A_157 = tpu.vector_load %arg12[%get3A_156] {strides = array<i32>} : memref<256xf32, #tpu.memory_space<vmem>>, vector<16xf32>,
    %get3A_158 = vector.shape_cast %get3A_157 : vector<16xf32> to vector<16xf32>
    %sub3A_159 = arith.subf %get3A_155, %get3A_158 : vector<16xf32>
    %add3A_160 = arith.constant 9.99999997E-7 : f32
    %add3A_161 = vector.broadcast %add3A_160 : f32 to vector<16xf32>
    %add3A_162 = arith.addf %sub3A_159, %add3A_161 : vector<16xf32>
    %abs3A_163 = math.absf %add3A_162 : vector<16xf32>
    %get3A_164 = arith.constant 48 : index
    %get3A_165 = tpu.vector_load %arg16[%get3A_164] {strides = array<i32>} : memref<256xf32, #tpu.memory_space<vmem>>, vector<16xf32>,
    %get3A_166 = vector.shape_cast %get3A_165 : vector<16xf32> to vector<16xf32>
    %get3A_167 = arith.constant 48 : index
    %get3A_168 = tpu.vector_load %arg13[%get3A_167] {strides = array<i32>} : memref<256xf32, #tpu.memory_space<vmem>>, vector<16xf32>,
    %get3A_169 = vector.shape_cast %get3A_168 : vector<16xf32> to vector<16xf32>
    %sub3A_170 = arith.subf %get3A_166, %get3A_169 : vector<16xf32>
    %add3A_171 = arith.constant 9.99999997E-7 : f32
    %add3A_172 = vector.broadcast %add3A_171 : f32 to vector<16xf32>
    %add3A_173 = arith.addf %sub3A_170, %add3A_172 : vector<16xf32>
    %abs3A_174 = math.absf %add3A_173 : vector<16xf32>
    %mul3A_175 = arith.mulf %abs3A_152, %abs3A_152 : vector<16xf32>
    %mul3A_176 = arith.mulf %abs3A_163, %abs3A_163 : vector<16xf32>
    %add3A_177 = arith.addf %mul3A_175, %mul3A_176 : vector<16xf32>
    %mul3A_178 = arith.mulf %abs3A_174, %abs3A_174 : vector<16xf32>
    %add3A_179 = arith.addf %add3A_177, %mul3A_178 : vector<16xf32>
    %lt3A_180 = arith.constant 9.99999997E-7 : f32
    %lt3A_181 = vector.broadcast %lt3A_180 : f32 to vector<16xf32>
    %lt3A_182 = arith.cmpf olt, %add3A_179, %lt3A_181 : vector<16xf32>
    %select_n3A_183 = arith.select %lt3A_182, %broadcast_in_dim3A_15, %broadcast_in_dim3A_17 : vector<16xi1>, vector<16xf32>
    %add3A_184 = arith.addf %add3A_141, %select_n3A_183 : vector<16xf32>
    %get3A_185 = arith.constant 64 : index
    %get3A_186 = tpu.vector_load %arg14[%get3A_185] {strides = array<i32>} : memref<256xf32, #tpu.memory_space<vmem>>, vector<16xf32>,
    %get3A_187 = vector.shape_cast %get3A_186 : vector<16xf32> to vector<16xf32>
    %get3A_188 = arith.constant 64 : index
    %get3A_189 = tpu.vector_load %arg11[%get3A_188] {strides = array<i32>} : memref<256xf32, #tpu.memory_space<vmem>>, vector<16xf32>,
    %get3A_190 = vector.shape_cast %get3A_189 : vector<16xf32> to vector<16xf32>
    %sub3A_191 = arith.subf %get3A_187, %get3A_190 : vector<16xf32>
    %add3A_192 = arith.constant 9.99999997E-7 : f32
    %add3A_193 = vector.broadcast %add3A_192 : f32 to vector<16xf32>
    %add3A_194 = arith.addf %sub3A_191, %add3A_193 : vector<16xf32>
    %abs3A_195 = math.absf %add3A_194 : vector<16xf32>
    %get3A_196 = arith.constant 64 : index
    %get3A_197 = tpu.vector_load %arg15[%get3A_196] {strides = array<i32>} : memref<256xf32, #tpu.memory_space<vmem>>, vector<16xf32>,
    %get3A_198 = vector.shape_cast %get3A_197 : vector<16xf32> to vector<16xf32>
    %get3A_199 = arith.constant 64 : index
    %get3A_200 = tpu.vector_load %arg12[%get3A_199] {strides = array<i32>} : memref<256xf32, #tpu.memory_space<vmem>>, vector<16xf32>,
    %get3A_201 = vector.shape_cast %get3A_200 : vector<16xf32> to vector<16xf32>
    %sub3A_202 = arith.subf %get3A_198, %get3A_201 : vector<16xf32>
    %add3A_203 = arith.constant 9.99999997E-7 : f32
    %add3A_204 = vector.broadcast %add3A_203 : f32 to vector<16xf32>
    %add3A_205 = arith.addf %sub3A_202, %add3A_204 : vector<16xf32>
    %abs3A_206 = math.absf %add3A_205 : vector<16xf32>
    %get3A_207 = arith.constant 64 : index
    %get3A_208 = tpu.vector_load %arg16[%get3A_207] {strides = array<i32>} : memref<256xf32, #tpu.memory_space<vmem>>, vector<16xf32>,
    %get3A_209 = vector.shape_cast %get3A_208 : vector<16xf32> to vector<16xf32>
    %get3A_210 = arith.constant 64 : index
    %get3A_211 = tpu.vector_load %arg13[%get3A_210] {strides = array<i32>} : memref<256xf32, #tpu.memory_space<vmem>>, vector<16xf32>,
    %get3A_212 = vector.shape_cast %get3A_211 : vector<16xf32> to vector<16xf32>
    %sub3A_213 = arith.subf %get3A_209, %get3A_212 : vector<16xf32>
    %add3A_214 = arith.constant 9.99999997E-7 : f32
    %add3A_215 = vector.broadcast %add3A_214 : f32 to vector<16xf32>
    %add3A_216 = arith.addf %sub3A_213, %add3A_215 : vector<16xf32>
    %abs3A_217 = math.absf %add3A_216 : vector<16xf32>
    %mul3A_218 = arith.mulf %abs3A_195, %abs3A_195 : vector<16xf32>
    %mul3A_219 = arith.mulf %abs3A_206, %abs3A_206 : vector<16xf32>
    %add3A_220 = arith.addf %mul3A_218, %mul3A_219 : vector<16xf32>
    %mul3A_221 = arith.mulf %abs3A_217, %abs3A_217 : vector<16xf32>
    %add3A_222 = arith.addf %add3A_220, %mul3A_221 : vector<16xf32>
    %lt3A_223 = arith.constant 9.99999997E-7 : f32
    %lt3A_224 = vector.broadcast %lt3A_223 : f32 to vector<16xf32>
    %lt3A_225 = arith.cmpf olt, %add3A_222, %lt3A_224 : vector<16xf32>
    %select_n3A_226 = arith.select %lt3A_225, %broadcast_in_dim3A_15, %broadcast_in_dim3A_17 : vector<16xi1>, vector<16xf32>
    %add3A_227 = arith.addf %add3A_184, %select_n3A_226 : vector<16xf32>
    %get3A_228 = arith.constant 80 : index
    %get3A_229 = tpu.vector_load %arg14[%get3A_228] {strides = array<i32>} : memref<256xf32, #tpu.memory_space<vmem>>, vector<16xf32>,
    %get3A_230 = vector.shape_cast %get3A_229 : vector<16xf32> to vector<16xf32>
    %get3A_231 = arith.constant 80 : index
    %get3A_232 = tpu.vector_load %arg11[%get3A_231] {strides = array<i32>} : memref<256xf32, #tpu.memory_space<vmem>>, vector<16xf32>,
    %get3A_233 = vector.shape_cast %get3A_232 : vector<16xf32> to vector<16xf32>
    %sub3A_234 = arith.subf %get3A_230, %get3A_233 : vector<16xf32>
    %add3A_235 = arith.constant 9.99999997E-7 : f32
    %add3A_236 = vector.broadcast %add3A_235 : f32 to vector<16xf32>
    %add3A_237 = arith.addf %sub3A_234, %add3A_236 : vector<16xf32>
    %abs3A_238 = math.absf %add3A_237 : vector<16xf32>
    %get3A_239 = arith.constant 80 : index
    %get3A_240 = tpu.vector_load %arg15[%get3A_239] {strides = array<i32>} : memref<256xf32, #tpu.memory_space<vmem>>, vector<16xf32>,
    %get3A_241 = vector.shape_cast %get3A_240 : vector<16xf32> to vector<16xf32>
    %get3A_242 = arith.constant 80 : index
    %get3A_243 = tpu.vector_load %arg12[%get3A_242] {strides = array<i32>} : memref<256xf32, #tpu.memory_space<vmem>>, vector<16xf32>,
    %get3A_244 = vector.shape_cast %get3A_243 : vector<16xf32> to vector<16xf32>
    %sub3A_245 = arith.subf %get3A_241, %get3A_244 : vector<16xf32>
    %add3A_246 = arith.constant 9.99999997E-7 : f32
    %add3A_247 = vector.broadcast %add3A_246 : f32 to vector<16xf32>
    %add3A_248 = arith.addf %sub3A_245, %add3A_247 : vector<16xf32>
    %abs3A_249 = math.absf %add3A_248 : vector<16xf32>
    %get3A_250 = arith.constant 80 : index
    %get3A_251 = tpu.vector_load %arg16[%get3A_250] {strides = array<i32>} : memref<256xf32, #tpu.memory_space<vmem>>, vector<16xf32>,
    %get3A_252 = vector.shape_cast %get3A_251 : vector<16xf32> to vector<16xf32>
    %get3A_253 = arith.constant 80 : index
    %get3A_254 = tpu.vector_load %arg13[%get3A_253] {strides = array<i32>} : memref<256xf32, #tpu.memory_space<vmem>>, vector<16xf32>,
    %get3A_255 = vector.shape_cast %get3A_254 : vector<16xf32> to vector<16xf32>
    %sub3A_256 = arith.subf %get3A_252, %get3A_255 : vector<16xf32>
    %add3A_257 = arith.constant 9.99999997E-7 : f32
    %add3A_258 = vector.broadcast %add3A_257 : f32 to vector<16xf32>
    %add3A_259 = arith.addf %sub3A_256, %add3A_258 : vector<16xf32>
    %abs3A_260 = math.absf %add3A_259 : vector<16xf32>
    %mul3A_261 = arith.mulf %abs3A_238, %abs3A_238 : vector<16xf32>
    %mul3A_262 = arith.mulf %abs3A_249, %abs3A_249 : vector<16xf32>
    %add3A_263 = arith.addf %mul3A_261, %mul3A_262 : vector<16xf32>
    %mul3A_264 = arith.mulf %abs3A_260, %abs3A_260 : vector<16xf32>
    %add3A_265 = arith.addf %add3A_263, %mul3A_264 : vector<16xf32>
    %lt3A_266 = arith.constant 9.99999997E-7 : f32
    %lt3A_267 = vector.broadcast %lt3A_266 : f32 to vector<16xf32>
    %lt3A_268 = arith.cmpf olt, %add3A_265, %lt3A_267 : vector<16xf32>
    %select_n3A_269 = arith.select %lt3A_268, %broadcast_in_dim3A_15, %broadcast_in_dim3A_17 : vector<16xi1>, vector<16xf32>
    %add3A_270 = arith.addf %add3A_227, %select_n3A_269 : vector<16xf32>
    %get3A_271 = arith.constant 96 : index
    %get3A_272 = tpu.vector_load %arg14[%get3A_271] {strides = array<i32>} : memref<256xf32, #tpu.memory_space<vmem>>, vector<16xf32>,
    %get3A_273 = vector.shape_cast %get3A_272 : vector<16xf32> to vector<16xf32>
    %get3A_274 = arith.constant 96 : index
    %get3A_275 = tpu.vector_load %arg11[%get3A_274] {strides = array<i32>} : memref<256xf32, #tpu.memory_space<vmem>>, vector<16xf32>,
    %get3A_276 = vector.shape_cast %get3A_275 : vector<16xf32> to vector<16xf32>
    %sub3A_277 = arith.subf %get3A_273, %get3A_276 : vector<16xf32>
    %add3A_278 = arith.constant 9.99999997E-7 : f32
    %add3A_279 = vector.broadcast %add3A_278 : f32 to vector<16xf32>
    %add3A_280 = arith.addf %sub3A_277, %add3A_279 : vector<16xf32>
    %abs3A_281 = math.absf %add3A_280 : vector<16xf32>
    %get3A_282 = arith.constant 96 : index
    %get3A_283 = tpu.vector_load %arg15[%get3A_282] {strides = array<i32>} : memref<256xf32, #tpu.memory_space<vmem>>, vector<16xf32>,
    %get3A_284 = vector.shape_cast %get3A_283 : vector<16xf32> to vector<16xf32>
    %get3A_285 = arith.constant 96 : index
    %get3A_286 = tpu.vector_load %arg12[%get3A_285] {strides = array<i32>} : memref<256xf32, #tpu.memory_space<vmem>>, vector<16xf32>,
    %get3A_287 = vector.shape_cast %get3A_286 : vector<16xf32> to vector<16xf32>
    %sub3A_288 = arith.subf %get3A_284, %get3A_287 : vector<16xf32>
    %add3A_289 = arith.constant 9.99999997E-7 : f32
    %add3A_290 = vector.broadcast %add3A_289 : f32 to vector<16xf32>
    %add3A_291 = arith.addf %sub3A_288, %add3A_290 : vector<16xf32>
    %abs3A_292 = math.absf %add3A_291 : vector<16xf32>
    %get3A_293 = arith.constant 96 : index
    %get3A_294 = tpu.vector_load %arg16[%get3A_293] {strides = array<i32>} : memref<256xf32, #tpu.memory_space<vmem>>, vector<16xf32>,
    %get3A_295 = vector.shape_cast %get3A_294 : vector<16xf32> to vector<16xf32>
    %get3A_296 = arith.constant 96 : index
    %get3A_297 = tpu.vector_load %arg13[%get3A_296] {strides = array<i32>} : memref<256xf32, #tpu.memory_space<vmem>>, vector<16xf32>,
    %get3A_298 = vector.shape_cast %get3A_297 : vector<16xf32> to vector<16xf32>
    %sub3A_299 = arith.subf %get3A_295, %get3A_298 : vector<16xf32>
    %add3A_300 = arith.constant 9.99999997E-7 : f32
    %add3A_301 = vector.broadcast %add3A_300 : f32 to vector<16xf32>
    %add3A_302 = arith.addf %sub3A_299, %add3A_301 : vector<16xf32>
    %abs3A_303 = math.absf %add3A_302 : vector<16xf32>
    %mul3A_304 = arith.mulf %abs3A_281, %abs3A_281 : vector<16xf32>
    %mul3A_305 = arith.mulf %abs3A_292, %abs3A_292 : vector<16xf32>
    %add3A_306 = arith.addf %mul3A_304, %mul3A_305 : vector<16xf32>
    %mul3A_307 = arith.mulf %abs3A_303, %abs3A_303 : vector<16xf32>
    %add3A_308 = arith.addf %add3A_306, %mul3A_307 : vector<16xf32>
    %lt3A_309 = arith.constant 9.99999997E-7 : f32
    %lt3A_310 = vector.broadcast %lt3A_309 : f32 to vector<16xf32>
    %lt3A_311 = arith.cmpf olt, %add3A_308, %lt3A_310 : vector<16xf32>
    %select_n3A_312 = arith.select %lt3A_311, %broadcast_in_dim3A_15, %broadcast_in_dim3A_17 : vector<16xi1>, vector<16xf32>
    %add3A_313 = arith.addf %add3A_270, %select_n3A_312 : vector<16xf32>
    %get3A_314 = arith.constant 112 : index
    %get3A_315 = tpu.vector_load %arg14[%get3A_314] {strides = array<i32>} : memref<256xf32, #tpu.memory_space<vmem>>, vector<16xf32>,
    %get3A_316 = vector.shape_cast %get3A_315 : vector<16xf32> to vector<16xf32>
    %get3A_317 = arith.constant 112 : index
    %get3A_318 = tpu.vector_load %arg11[%get3A_317] {strides = array<i32>} : memref<256xf32, #tpu.memory_space<vmem>>, vector<16xf32>,
    %get3A_319 = vector.shape_cast %get3A_318 : vector<16xf32> to vector<16xf32>
    %sub3A_320 = arith.subf %get3A_316, %get3A_319 : vector<16xf32>
    %add3A_321 = arith.constant 9.99999997E-7 : f32
    %add3A_322 = vector.broadcast %add3A_321 : f32 to vector<16xf32>
    %add3A_323 = arith.addf %sub3A_320, %add3A_322 : vector<16xf32>
    %abs3A_324 = math.absf %add3A_323 : vector<16xf32>
    %get3A_325 = arith.constant 112 : index
    %get3A_326 = tpu.vector_load %arg15[%get3A_325] {strides = array<i32>} : memref<256xf32, #tpu.memory_space<vmem>>, vector<16xf32>,
    %get3A_327 = vector.shape_cast %get3A_326 : vector<16xf32> to vector<16xf32>
    %get3A_328 = arith.constant 112 : index
    %get3A_329 = tpu.vector_load %arg12[%get3A_328] {strides = array<i32>} : memref<256xf32, #tpu.memory_space<vmem>>, vector<16xf32>,
    %get3A_330 = vector.shape_cast %get3A_329 : vector<16xf32> to vector<16xf32>
    %sub3A_331 = arith.subf %get3A_327, %get3A_330 : vector<16xf32>
    %add3A_332 = arith.constant 9.99999997E-7 : f32
    %add3A_333 = vector.broadcast %add3A_332 : f32 to vector<16xf32>
    %add3A_334 = arith.addf %sub3A_331, %add3A_333 : vector<16xf32>
    %abs3A_335 = math.absf %add3A_334 : vector<16xf32>
    %get3A_336 = arith.constant 112 : index
    %get3A_337 = tpu.vector_load %arg16[%get3A_336] {strides = array<i32>} : memref<256xf32, #tpu.memory_space<vmem>>, vector<16xf32>,
    %get3A_338 = vector.shape_cast %get3A_337 : vector<16xf32> to vector<16xf32>
    %get3A_339 = arith.constant 112 : index
    %get3A_340 = tpu.vector_load %arg13[%get3A_339] {strides = array<i32>} : memref<256xf32, #tpu.memory_space<vmem>>, vector<16xf32>,
    %get3A_341 = vector.shape_cast %get3A_340 : vector<16xf32> to vector<16xf32>
    %sub3A_342 = arith.subf %get3A_338, %get3A_341 : vector<16xf32>
    %add3A_343 = arith.constant 9.99999997E-7 : f32
    %add3A_344 = vector.broadcast %add3A_343 : f32 to vector<16xf32>
    %add3A_345 = arith.addf %sub3A_342, %add3A_344 : vector<16xf32>
    %abs3A_346 = math.absf %add3A_345 : vector<16xf32>
    %mul3A_347 = arith.mulf %abs3A_324, %abs3A_324 : vector<16xf32>
    %mul3A_348 = arith.mulf %abs3A_335, %abs3A_335 : vector<16xf32>
    %add3A_349 = arith.addf %mul3A_347, %mul3A_348 : vector<16xf32>
    %mul3A_350 = arith.mulf %abs3A_346, %abs3A_346 : vector<16xf32>
    %add3A_351 = arith.addf %add3A_349, %mul3A_350 : vector<16xf32>
    %lt3A_352 = arith.constant 9.99999997E-7 : f32
    %lt3A_353 = vector.broadcast %lt3A_352 : f32 to vector<16xf32>
    %lt3A_354 = arith.cmpf olt, %add3A_351, %lt3A_353 : vector<16xf32>
    %select_n3A_355 = arith.select %lt3A_354, %broadcast_in_dim3A_15, %broadcast_in_dim3A_17 : vector<16xi1>, vector<16xf32>
    %add3A_356 = arith.addf %add3A_313, %select_n3A_355 : vector<16xf32>
    %get3A_357 = arith.constant 128 : index
    %get3A_358 = tpu.vector_load %arg14[%get3A_357] {strides = array<i32>} : memref<256xf32, #tpu.memory_space<vmem>>, vector<16xf32>,
    %get3A_359 = vector.shape_cast %get3A_358 : vector<16xf32> to vector<16xf32>
    %get3A_360 = arith.constant 128 : index
    %get3A_361 = tpu.vector_load %arg11[%get3A_360] {strides = array<i32>} : memref<256xf32, #tpu.memory_space<vmem>>, vector<16xf32>,
    %get3A_362 = vector.shape_cast %get3A_361 : vector<16xf32> to vector<16xf32>
    %sub3A_363 = arith.subf %get3A_359, %get3A_362 : vector<16xf32>
    %add3A_364 = arith.constant 9.99999997E-7 : f32
    %add3A_365 = vector.broadcast %add3A_364 : f32 to vector<16xf32>
    %add3A_366 = arith.addf %sub3A_363, %add3A_365 : vector<16xf32>
    %abs3A_367 = math.absf %add3A_366 : vector<16xf32>
    %get3A_368 = arith.constant 128 : index
    %get3A_369 = tpu.vector_load %arg15[%get3A_368] {strides = array<i32>} : memref<256xf32, #tpu.memory_space<vmem>>, vector<16xf32>,
    %get3A_370 = vector.shape_cast %get3A_369 : vector<16xf32> to vector<16xf32>
    %get3A_371 = arith.constant 128 : index
    %get3A_372 = tpu.vector_load %arg12[%get3A_371] {strides = array<i32>} : memref<256xf32, #tpu.memory_space<vmem>>, vector<16xf32>,
    %get3A_373 = vector.shape_cast %get3A_372 : vector<16xf32> to vector<16xf32>
    %sub3A_374 = arith.subf %get3A_370, %get3A_373 : vector<16xf32>
    %add3A_375 = arith.constant 9.99999997E-7 : f32
    %add3A_376 = vector.broadcast %add3A_375 : f32 to vector<16xf32>
    %add3A_377 = arith.addf %sub3A_374, %add3A_376 : vector<16xf32>
    %abs3A_378 = math.absf %add3A_377 : vector<16xf32>
    %get3A_379 = arith.constant 128 : index
    %get3A_380 = tpu.vector_load %arg16[%get3A_379] {strides = array<i32>} : memref<256xf32, #tpu.memory_space<vmem>>, vector<16xf32>,
    %get3A_381 = vector.shape_cast %get3A_380 : vector<16xf32> to vector<16xf32>
    %get3A_382 = arith.constant 128 : index
    %get3A_383 = tpu.vector_load %arg13[%get3A_382] {strides = array<i32>} : memref<256xf32, #tpu.memory_space<vmem>>, vector<16xf32>,
    %get3A_384 = vector.shape_cast %get3A_383 : vector<16xf32> to vector<16xf32>
    %sub3A_385 = arith.subf %get3A_381, %get3A_384 : vector<16xf32>
    %add3A_386 = arith.constant 9.99999997E-7 : f32
    %add3A_387 = vector.broadcast %add3A_386 : f32 to vector<16xf32>
    %add3A_388 = arith.addf %sub3A_385, %add3A_387 : vector<16xf32>
    %abs3A_389 = math.absf %add3A_388 : vector<16xf32>
    %mul3A_390 = arith.mulf %abs3A_367, %abs3A_367 : vector<16xf32>
    %mul3A_391 = arith.mulf %abs3A_378, %abs3A_378 : vector<16xf32>
    %add3A_392 = arith.addf %mul3A_390, %mul3A_391 : vector<16xf32>
    %mul3A_393 = arith.mulf %abs3A_389, %abs3A_389 : vector<16xf32>
    %add3A_394 = arith.addf %add3A_392, %mul3A_393 : vector<16xf32>
    %lt3A_395 = arith.constant 9.99999997E-7 : f32
    %lt3A_396 = vector.broadcast %lt3A_395 : f32 to vector<16xf32>
    %lt3A_397 = arith.cmpf olt, %add3A_394, %lt3A_396 : vector<16xf32>
    %select_n3A_398 = arith.select %lt3A_397, %broadcast_in_dim3A_15, %broadcast_in_dim3A_17 : vector<16xi1>, vector<16xf32>
    %add3A_399 = arith.addf %add3A_356, %select_n3A_398 : vector<16xf32>
    %get3A_400 = arith.constant 144 : index
    %get3A_401 = tpu.vector_load %arg14[%get3A_400] {strides = array<i32>} : memref<256xf32, #tpu.memory_space<vmem>>, vector<16xf32>,
    %get3A_402 = vector.shape_cast %get3A_401 : vector<16xf32> to vector<16xf32>
    %get3A_403 = arith.constant 144 : index
    %get3A_404 = tpu.vector_load %arg11[%get3A_403] {strides = array<i32>} : memref<256xf32, #tpu.memory_space<vmem>>, vector<16xf32>,
    %get3A_405 = vector.shape_cast %get3A_404 : vector<16xf32> to vector<16xf32>
    %sub3A_406 = arith.subf %get3A_402, %get3A_405 : vector<16xf32>
    %add3A_407 = arith.constant 9.99999997E-7 : f32
    %add3A_408 = vector.broadcast %add3A_407 : f32 to vector<16xf32>
    %add3A_409 = arith.addf %sub3A_406, %add3A_408 : vector<16xf32>
    %abs3A_410 = math.absf %add3A_409 : vector<16xf32>
    %get3A_411 = arith.constant 144 : index
    %get3A_412 = tpu.vector_load %arg15[%get3A_411] {strides = array<i32>} : memref<256xf32, #tpu.memory_space<vmem>>, vector<16xf32>,
    %get3A_413 = vector.shape_cast %get3A_412 : vector<16xf32> to vector<16xf32>
    %get3A_414 = arith.constant 144 : index
    %get3A_415 = tpu.vector_load %arg12[%get3A_414] {strides = array<i32>} : memref<256xf32, #tpu.memory_space<vmem>>, vector<16xf32>,
    %get3A_416 = vector.shape_cast %get3A_415 : vector<16xf32> to vector<16xf32>
    %sub3A_417 = arith.subf %get3A_413, %get3A_416 : vector<16xf32>
    %add3A_418 = arith.constant 9.99999997E-7 : f32
    %add3A_419 = vector.broadcast %add3A_418 : f32 to vector<16xf32>
    %add3A_420 = arith.addf %sub3A_417, %add3A_419 : vector<16xf32>
    %abs3A_421 = math.absf %add3A_420 : vector<16xf32>
    %get3A_422 = arith.constant 144 : index
    %get3A_423 = tpu.vector_load %arg16[%get3A_422] {strides = array<i32>} : memref<256xf32, #tpu.memory_space<vmem>>, vector<16xf32>,
    %get3A_424 = vector.shape_cast %get3A_423 : vector<16xf32> to vector<16xf32>
    %get3A_425 = arith.constant 144 : index
    %get3A_426 = tpu.vector_load %arg13[%get3A_425] {strides = array<i32>} : memref<256xf32, #tpu.memory_space<vmem>>, vector<16xf32>,
    %get3A_427 = vector.shape_cast %get3A_426 : vector<16xf32> to vector<16xf32>
    %sub3A_428 = arith.subf %get3A_424, %get3A_427 : vector<16xf32>
    %add3A_429 = arith.constant 9.99999997E-7 : f32
    %add3A_430 = vector.broadcast %add3A_429 : f32 to vector<16xf32>
    %add3A_431 = arith.addf %sub3A_428, %add3A_430 : vector<16xf32>
    %abs3A_432 = math.absf %add3A_431 : vector<16xf32>
    %mul3A_433 = arith.mulf %abs3A_410, %abs3A_410 : vector<16xf32>
    %mul3A_434 = arith.mulf %abs3A_421, %abs3A_421 : vector<16xf32>
    %add3A_435 = arith.addf %mul3A_433, %mul3A_434 : vector<16xf32>
    %mul3A_436 = arith.mulf %abs3A_432, %abs3A_432 : vector<16xf32>
    %add3A_437 = arith.addf %add3A_435, %mul3A_436 : vector<16xf32>
    %lt3A_438 = arith.constant 9.99999997E-7 : f32
    %lt3A_439 = vector.broadcast %lt3A_438 : f32 to vector<16xf32>
    %lt3A_440 = arith.cmpf olt, %add3A_437, %lt3A_439 : vector<16xf32>
    %select_n3A_441 = arith.select %lt3A_440, %broadcast_in_dim3A_15, %broadcast_in_dim3A_17 : vector<16xi1>, vector<16xf32>
    %add3A_442 = arith.addf %add3A_399, %select_n3A_441 : vector<16xf32>
    %get3A_443 = arith.constant 160 : index
    %get3A_444 = tpu.vector_load %arg14[%get3A_443] {strides = array<i32>} : memref<256xf32, #tpu.memory_space<vmem>>, vector<16xf32>,
    %get3A_445 = vector.shape_cast %get3A_444 : vector<16xf32> to vector<16xf32>
    %get3A_446 = arith.constant 160 : index
    %get3A_447 = tpu.vector_load %arg11[%get3A_446] {strides = array<i32>} : memref<256xf32, #tpu.memory_space<vmem>>, vector<16xf32>,
    %get3A_448 = vector.shape_cast %get3A_447 : vector<16xf32> to vector<16xf32>
    %sub3A_449 = arith.subf %get3A_445, %get3A_448 : vector<16xf32>
    %add3A_450 = arith.constant 9.99999997E-7 : f32
    %add3A_451 = vector.broadcast %add3A_450 : f32 to vector<16xf32>
    %add3A_452 = arith.addf %sub3A_449, %add3A_451 : vector<16xf32>
    %abs3A_453 = math.absf %add3A_452 : vector<16xf32>
    %get3A_454 = arith.constant 160 : index
    %get3A_455 = tpu.vector_load %arg15[%get3A_454] {strides = array<i32>} : memref<256xf32, #tpu.memory_space<vmem>>, vector<16xf32>,
    %get3A_456 = vector.shape_cast %get3A_455 : vector<16xf32> to vector<16xf32>
    %get3A_457 = arith.constant 160 : index
    %get3A_458 = tpu.vector_load %arg12[%get3A_457] {strides = array<i32>} : memref<256xf32, #tpu.memory_space<vmem>>, vector<16xf32>,
    %get3A_459 = vector.shape_cast %get3A_458 : vector<16xf32> to vector<16xf32>
    %sub3A_460 = arith.subf %get3A_456, %get3A_459 : vector<16xf32>
    %add3A_461 = arith.constant 9.99999997E-7 : f32
    %add3A_462 = vector.broadcast %add3A_461 : f32 to vector<16xf32>
    %add3A_463 = arith.addf %sub3A_460, %add3A_462 : vector<16xf32>
    %abs3A_464 = math.absf %add3A_463 : vector<16xf32>
    %get3A_465 = arith.constant 160 : index
    %get3A_466 = tpu.vector_load %arg16[%get3A_465] {strides = array<i32>} : memref<256xf32, #tpu.memory_space<vmem>>, vector<16xf32>,
    %get3A_467 = vector.shape_cast %get3A_466 : vector<16xf32> to vector<16xf32>
    %get3A_468 = arith.constant 160 : index
    %get3A_469 = tpu.vector_load %arg13[%get3A_468] {strides = array<i32>} : memref<256xf32, #tpu.memory_space<vmem>>, vector<16xf32>,
    %get3A_470 = vector.shape_cast %get3A_469 : vector<16xf32> to vector<16xf32>
    %sub3A_471 = arith.subf %get3A_467, %get3A_470 : vector<16xf32>
    %add3A_472 = arith.constant 9.99999997E-7 : f32
    %add3A_473 = vector.broadcast %add3A_472 : f32 to vector<16xf32>
    %add3A_474 = arith.addf %sub3A_471, %add3A_473 : vector<16xf32>
    %abs3A_475 = math.absf %add3A_474 : vector<16xf32>
    %mul3A_476 = arith.mulf %abs3A_453, %abs3A_453 : vector<16xf32>
    %mul3A_477 = arith.mulf %abs3A_464, %abs3A_464 : vector<16xf32>
    %add3A_478 = arith.addf %mul3A_476, %mul3A_477 : vector<16xf32>
    %mul3A_479 = arith.mulf %abs3A_475, %abs3A_475 : vector<16xf32>
    %add3A_480 = arith.addf %add3A_478, %mul3A_479 : vector<16xf32>
    %lt3A_481 = arith.constant 9.99999997E-7 : f32
    %lt3A_482 = vector.broadcast %lt3A_481 : f32 to vector<16xf32>
    %lt3A_483 = arith.cmpf olt, %add3A_480, %lt3A_482 : vector<16xf32>
    %select_n3A_484 = arith.select %lt3A_483, %broadcast_in_dim3A_15, %broadcast_in_dim3A_17 : vector<16xi1>, vector<16xf32>
    %add3A_485 = arith.addf %add3A_442, %select_n3A_484 : vector<16xf32>
    %get3A_486 = arith.constant 176 : index
    %get3A_487 = tpu.vector_load %arg14[%get3A_486] {strides = array<i32>} : memref<256xf32, #tpu.memory_space<vmem>>, vector<16xf32>,
    %get3A_488 = vector.shape_cast %get3A_487 : vector<16xf32> to vector<16xf32>
    %get3A_489 = arith.constant 176 : index
    %get3A_490 = tpu.vector_load %arg11[%get3A_489] {strides = array<i32>} : memref<256xf32, #tpu.memory_space<vmem>>, vector<16xf32>,
    %get3A_491 = vector.shape_cast %get3A_490 : vector<16xf32> to vector<16xf32>
    %sub3A_492 = arith.subf %get3A_488, %get3A_491 : vector<16xf32>
    %add3A_493 = arith.constant 9.99999997E-7 : f32
    %add3A_494 = vector.broadcast %add3A_493 : f32 to vector<16xf32>
    %add3A_495 = arith.addf %sub3A_492, %add3A_494 : vector<16xf32>
    %abs3A_496 = math.absf %add3A_495 : vector<16xf32>
    %get3A_497 = arith.constant 176 : index
    %get3A_498 = tpu.vector_load %arg15[%get3A_497] {strides = array<i32>} : memref<256xf32, #tpu.memory_space<vmem>>, vector<16xf32>,
    %get3A_499 = vector.shape_cast %get3A_498 : vector<16xf32> to vector<16xf32>
    %get3A_500 = arith.constant 176 : index
    %get3A_501 = tpu.vector_load %arg12[%get3A_500] {strides = array<i32>} : memref<256xf32, #tpu.memory_space<vmem>>, vector<16xf32>,
    %get3A_502 = vector.shape_cast %get3A_501 : vector<16xf32> to vector<16xf32>
    %sub3A_503 = arith.subf %get3A_499, %get3A_502 : vector<16xf32>
    %add3A_504 = arith.constant 9.99999997E-7 : f32
    %add3A_505 = vector.broadcast %add3A_504 : f32 to vector<16xf32>
    %add3A_506 = arith.addf %sub3A_503, %add3A_505 : vector<16xf32>
    %abs3A_507 = math.absf %add3A_506 : vector<16xf32>
    %get3A_508 = arith.constant 176 : index
    %get3A_509 = tpu.vector_load %arg16[%get3A_508] {strides = array<i32>} : memref<256xf32, #tpu.memory_space<vmem>>, vector<16xf32>,
    %get3A_510 = vector.shape_cast %get3A_509 : vector<16xf32> to vector<16xf32>
    %get3A_511 = arith.constant 176 : index
    %get3A_512 = tpu.vector_load %arg13[%get3A_511] {strides = array<i32>} : memref<256xf32, #tpu.memory_space<vmem>>, vector<16xf32>,
    %get3A_513 = vector.shape_cast %get3A_512 : vector<16xf32> to vector<16xf32>
    %sub3A_514 = arith.subf %get3A_510, %get3A_513 : vector<16xf32>
    %add3A_515 = arith.constant 9.99999997E-7 : f32
    %add3A_516 = vector.broadcast %add3A_515 : f32 to vector<16xf32>
    %add3A_517 = arith.addf %sub3A_514, %add3A_516 : vector<16xf32>
    %abs3A_518 = math.absf %add3A_517 : vector<16xf32>
    %mul3A_519 = arith.mulf %abs3A_496, %abs3A_496 : vector<16xf32>
    %mul3A_520 = arith.mulf %abs3A_507, %abs3A_507 : vector<16xf32>
    %add3A_521 = arith.addf %mul3A_519, %mul3A_520 : vector<16xf32>
    %mul3A_522 = arith.mulf %abs3A_518, %abs3A_518 : vector<16xf32>
    %add3A_523 = arith.addf %add3A_521, %mul3A_522 : vector<16xf32>
    %lt3A_524 = arith.constant 9.99999997E-7 : f32
    %lt3A_525 = vector.broadcast %lt3A_524 : f32 to vector<16xf32>
    %lt3A_526 = arith.cmpf olt, %add3A_523, %lt3A_525 : vector<16xf32>
    %select_n3A_527 = arith.select %lt3A_526, %broadcast_in_dim3A_15, %broadcast_in_dim3A_17 : vector<16xi1>, vector<16xf32>
    %add3A_528 = arith.addf %add3A_485, %select_n3A_527 : vector<16xf32>
    %get3A_529 = arith.constant 192 : index
    %get3A_530 = tpu.vector_load %arg14[%get3A_529] {strides = array<i32>} : memref<256xf32, #tpu.memory_space<vmem>>, vector<16xf32>,
    %get3A_531 = vector.shape_cast %get3A_530 : vector<16xf32> to vector<16xf32>
    %get3A_532 = arith.constant 192 : index
    %get3A_533 = tpu.vector_load %arg11[%get3A_532] {strides = array<i32>} : memref<256xf32, #tpu.memory_space<vmem>>, vector<16xf32>,
    %get3A_534 = vector.shape_cast %get3A_533 : vector<16xf32> to vector<16xf32>
    %sub3A_535 = arith.subf %get3A_531, %get3A_534 : vector<16xf32>
    %add3A_536 = arith.constant 9.99999997E-7 : f32
    %add3A_537 = vector.broadcast %add3A_536 : f32 to vector<16xf32>
    %add3A_538 = arith.addf %sub3A_535, %add3A_537 : vector<16xf32>
    %abs3A_539 = math.absf %add3A_538 : vector<16xf32>
    %get3A_540 = arith.constant 192 : index
    %get3A_541 = tpu.vector_load %arg15[%get3A_540] {strides = array<i32>} : memref<256xf32, #tpu.memory_space<vmem>>, vector<16xf32>,
    %get3A_542 = vector.shape_cast %get3A_541 : vector<16xf32> to vector<16xf32>
    %get3A_543 = arith.constant 192 : index
    %get3A_544 = tpu.vector_load %arg12[%get3A_543] {strides = array<i32>} : memref<256xf32, #tpu.memory_space<vmem>>, vector<16xf32>,
    %get3A_545 = vector.shape_cast %get3A_544 : vector<16xf32> to vector<16xf32>
    %sub3A_546 = arith.subf %get3A_542, %get3A_545 : vector<16xf32>
    %add3A_547 = arith.constant 9.99999997E-7 : f32
    %add3A_548 = vector.broadcast %add3A_547 : f32 to vector<16xf32>
    %add3A_549 = arith.addf %sub3A_546, %add3A_548 : vector<16xf32>
    %abs3A_550 = math.absf %add3A_549 : vector<16xf32>
    %get3A_551 = arith.constant 192 : index
    %get3A_552 = tpu.vector_load %arg16[%get3A_551] {strides = array<i32>} : memref<256xf32, #tpu.memory_space<vmem>>, vector<16xf32>,
    %get3A_553 = vector.shape_cast %get3A_552 : vector<16xf32> to vector<16xf32>
    %get3A_554 = arith.constant 192 : index
    %get3A_555 = tpu.vector_load %arg13[%get3A_554] {strides = array<i32>} : memref<256xf32, #tpu.memory_space<vmem>>, vector<16xf32>,
    %get3A_556 = vector.shape_cast %get3A_555 : vector<16xf32> to vector<16xf32>
    %sub3A_557 = arith.subf %get3A_553, %get3A_556 : vector<16xf32>
    %add3A_558 = arith.constant 9.99999997E-7 : f32
    %add3A_559 = vector.broadcast %add3A_558 : f32 to vector<16xf32>
    %add3A_560 = arith.addf %sub3A_557, %add3A_559 : vector<16xf32>
    %abs3A_561 = math.absf %add3A_560 : vector<16xf32>
    %mul3A_562 = arith.mulf %abs3A_539, %abs3A_539 : vector<16xf32>
    %mul3A_563 = arith.mulf %abs3A_550, %abs3A_550 : vector<16xf32>
    %add3A_564 = arith.addf %mul3A_562, %mul3A_563 : vector<16xf32>
    %mul3A_565 = arith.mulf %abs3A_561, %abs3A_561 : vector<16xf32>
    %add3A_566 = arith.addf %add3A_564, %mul3A_565 : vector<16xf32>
    %lt3A_567 = arith.constant 9.99999997E-7 : f32
    %lt3A_568 = vector.broadcast %lt3A_567 : f32 to vector<16xf32>
    %lt3A_569 = arith.cmpf olt, %add3A_566, %lt3A_568 : vector<16xf32>
    %select_n3A_570 = arith.select %lt3A_569, %broadcast_in_dim3A_15, %broadcast_in_dim3A_17 : vector<16xi1>, vector<16xf32>
    %add3A_571 = arith.addf %add3A_528, %select_n3A_570 : vector<16xf32>
    %get3A_572 = arith.constant 208 : index
    %get3A_573 = tpu.vector_load %arg14[%get3A_572] {strides = array<i32>} : memref<256xf32, #tpu.memory_space<vmem>>, vector<16xf32>,
    %get3A_574 = vector.shape_cast %get3A_573 : vector<16xf32> to vector<16xf32>
    %get3A_575 = arith.constant 208 : index
    %get3A_576 = tpu.vector_load %arg11[%get3A_575] {strides = array<i32>} : memref<256xf32, #tpu.memory_space<vmem>>, vector<16xf32>,
    %get3A_577 = vector.shape_cast %get3A_576 : vector<16xf32> to vector<16xf32>
    %sub3A_578 = arith.subf %get3A_574, %get3A_577 : vector<16xf32>
    %add3A_579 = arith.constant 9.99999997E-7 : f32
    %add3A_580 = vector.broadcast %add3A_579 : f32 to vector<16xf32>
    %add3A_581 = arith.addf %sub3A_578, %add3A_580 : vector<16xf32>
    %abs3A_582 = math.absf %add3A_581 : vector<16xf32>
    %get3A_583 = arith.constant 208 : index
    %get3A_584 = tpu.vector_load %arg15[%get3A_583] {strides = array<i32>} : memref<256xf32, #tpu.memory_space<vmem>>, vector<16xf32>,
    %get3A_585 = vector.shape_cast %get3A_584 : vector<16xf32> to vector<16xf32>
    %get3A_586 = arith.constant 208 : index
    %get3A_587 = tpu.vector_load %arg12[%get3A_586] {strides = array<i32>} : memref<256xf32, #tpu.memory_space<vmem>>, vector<16xf32>,
    %get3A_588 = vector.shape_cast %get3A_587 : vector<16xf32> to vector<16xf32>
    %sub3A_589 = arith.subf %get3A_585, %get3A_588 : vector<16xf32>
    %add3A_590 = arith.constant 9.99999997E-7 : f32
    %add3A_591 = vector.broadcast %add3A_590 : f32 to vector<16xf32>
    %add3A_592 = arith.addf %sub3A_589, %add3A_591 : vector<16xf32>
    %abs3A_593 = math.absf %add3A_592 : vector<16xf32>
    %get3A_594 = arith.constant 208 : index
    %get3A_595 = tpu.vector_load %arg16[%get3A_594] {strides = array<i32>} : memref<256xf32, #tpu.memory_space<vmem>>, vector<16xf32>,
    %get3A_596 = vector.shape_cast %get3A_595 : vector<16xf32> to vector<16xf32>
    %get3A_597 = arith.constant 208 : index
    %get3A_598 = tpu.vector_load %arg13[%get3A_597] {strides = array<i32>} : memref<256xf32, #tpu.memory_space<vmem>>, vector<16xf32>,
    %get3A_599 = vector.shape_cast %get3A_598 : vector<16xf32> to vector<16xf32>
    %sub3A_600 = arith.subf %get3A_596, %get3A_599 : vector<16xf32>
    %add3A_601 = arith.constant 9.99999997E-7 : f32
    %add3A_602 = vector.broadcast %add3A_601 : f32 to vector<16xf32>
    %add3A_603 = arith.addf %sub3A_600, %add3A_602 : vector<16xf32>
    %abs3A_604 = math.absf %add3A_603 : vector<16xf32>
    %mul3A_605 = arith.mulf %abs3A_582, %abs3A_582 : vector<16xf32>
    %mul3A_606 = arith.mulf %abs3A_593, %abs3A_593 : vector<16xf32>
    %add3A_607 = arith.addf %mul3A_605, %mul3A_606 : vector<16xf32>
    %mul3A_608 = arith.mulf %abs3A_604, %abs3A_604 : vector<16xf32>
    %add3A_609 = arith.addf %add3A_607, %mul3A_608 : vector<16xf32>
    %lt3A_610 = arith.constant 9.99999997E-7 : f32
    %lt3A_611 = vector.broadcast %lt3A_610 : f32 to vector<16xf32>
    %lt3A_612 = arith.cmpf olt, %add3A_609, %lt3A_611 : vector<16xf32>
    %select_n3A_613 = arith.select %lt3A_612, %broadcast_in_dim3A_15, %broadcast_in_dim3A_17 : vector<16xi1>, vector<16xf32>
    %add3A_614 = arith.addf %add3A_571, %select_n3A_613 : vector<16xf32>
    %get3A_615 = arith.constant 224 : index
    %get3A_616 = tpu.vector_load %arg14[%get3A_615] {strides = array<i32>} : memref<256xf32, #tpu.memory_space<vmem>>, vector<16xf32>,
    %get3A_617 = vector.shape_cast %get3A_616 : vector<16xf32> to vector<16xf32>
    %get3A_618 = arith.constant 224 : index
    %get3A_619 = tpu.vector_load %arg11[%get3A_618] {strides = array<i32>} : memref<256xf32, #tpu.memory_space<vmem>>, vector<16xf32>,
    %get3A_620 = vector.shape_cast %get3A_619 : vector<16xf32> to vector<16xf32>
    %sub3A_621 = arith.subf %get3A_617, %get3A_620 : vector<16xf32>
    %add3A_622 = arith.constant 9.99999997E-7 : f32
    %add3A_623 = vector.broadcast %add3A_622 : f32 to vector<16xf32>
    %add3A_624 = arith.addf %sub3A_621, %add3A_623 : vector<16xf32>
    %abs3A_625 = math.absf %add3A_624 : vector<16xf32>
    %get3A_626 = arith.constant 224 : index
    %get3A_627 = tpu.vector_load %arg15[%get3A_626] {strides = array<i32>} : memref<256xf32, #tpu.memory_space<vmem>>, vector<16xf32>,
    %get3A_628 = vector.shape_cast %get3A_627 : vector<16xf32> to vector<16xf32>
    %get3A_629 = arith.constant 224 : index
    %get3A_630 = tpu.vector_load %arg12[%get3A_629] {strides = array<i32>} : memref<256xf32, #tpu.memory_space<vmem>>, vector<16xf32>,
    %get3A_631 = vector.shape_cast %get3A_630 : vector<16xf32> to vector<16xf32>
    %sub3A_632 = arith.subf %get3A_628, %get3A_631 : vector<16xf32>
    %add3A_633 = arith.constant 9.99999997E-7 : f32
    %add3A_634 = vector.broadcast %add3A_633 : f32 to vector<16xf32>
    %add3A_635 = arith.addf %sub3A_632, %add3A_634 : vector<16xf32>
    %abs3A_636 = math.absf %add3A_635 : vector<16xf32>
    %get3A_637 = arith.constant 224 : index
    %get3A_638 = tpu.vector_load %arg16[%get3A_637] {strides = array<i32>} : memref<256xf32, #tpu.memory_space<vmem>>, vector<16xf32>,
    %get3A_639 = vector.shape_cast %get3A_638 : vector<16xf32> to vector<16xf32>
    %get3A_640 = arith.constant 224 : index
    %get3A_641 = tpu.vector_load %arg13[%get3A_640] {strides = array<i32>} : memref<256xf32, #tpu.memory_space<vmem>>, vector<16xf32>,
    %get3A_642 = vector.shape_cast %get3A_641 : vector<16xf32> to vector<16xf32>
    %sub3A_643 = arith.subf %get3A_639, %get3A_642 : vector<16xf32>
    %add3A_644 = arith.constant 9.99999997E-7 : f32
    %add3A_645 = vector.broadcast %add3A_644 : f32 to vector<16xf32>
    %add3A_646 = arith.addf %sub3A_643, %add3A_645 : vector<16xf32>
    %abs3A_647 = math.absf %add3A_646 : vector<16xf32>
    %mul3A_648 = arith.mulf %abs3A_625, %abs3A_625 : vector<16xf32>
    %mul3A_649 = arith.mulf %abs3A_636, %abs3A_636 : vector<16xf32>
    %add3A_650 = arith.addf %mul3A_648, %mul3A_649 : vector<16xf32>
    %mul3A_651 = arith.mulf %abs3A_647, %abs3A_647 : vector<16xf32>
    %add3A_652 = arith.addf %add3A_650, %mul3A_651 : vector<16xf32>
    %lt3A_653 = arith.constant 9.99999997E-7 : f32
    %lt3A_654 = vector.broadcast %lt3A_653 : f32 to vector<16xf32>
    %lt3A_655 = arith.cmpf olt, %add3A_652, %lt3A_654 : vector<16xf32>
    %select_n3A_656 = arith.select %lt3A_655, %broadcast_in_dim3A_15, %broadcast_in_dim3A_17 : vector<16xi1>, vector<16xf32>
    %add3A_657 = arith.addf %add3A_614, %select_n3A_656 : vector<16xf32>
    %get3A_658 = arith.constant 240 : index
    %get3A_659 = tpu.vector_load %arg14[%get3A_658] {strides = array<i32>} : memref<256xf32, #tpu.memory_space<vmem>>, vector<16xf32>,
    %get3A_660 = vector.shape_cast %get3A_659 : vector<16xf32> to vector<16xf32>
    %get3A_661 = arith.constant 240 : index
    %get3A_662 = tpu.vector_load %arg11[%get3A_661] {strides = array<i32>} : memref<256xf32, #tpu.memory_space<vmem>>, vector<16xf32>,
    %get3A_663 = vector.shape_cast %get3A_662 : vector<16xf32> to vector<16xf32>
    %sub3A_664 = arith.subf %get3A_660, %get3A_663 : vector<16xf32>
    %add3A_665 = arith.constant 9.99999997E-7 : f32
    %add3A_666 = vector.broadcast %add3A_665 : f32 to vector<16xf32>
    %add3A_667 = arith.addf %sub3A_664, %add3A_666 : vector<16xf32>
    %abs3A_668 = math.absf %add3A_667 : vector<16xf32>
    %get3A_669 = arith.constant 240 : index
    %get3A_670 = tpu.vector_load %arg15[%get3A_669] {strides = array<i32>} : memref<256xf32, #tpu.memory_space<vmem>>, vector<16xf32>,
    %get3A_671 = vector.shape_cast %get3A_670 : vector<16xf32> to vector<16xf32>
    %get3A_672 = arith.constant 240 : index
    %get3A_673 = tpu.vector_load %arg12[%get3A_672] {strides = array<i32>} : memref<256xf32, #tpu.memory_space<vmem>>, vector<16xf32>,
    %get3A_674 = vector.shape_cast %get3A_673 : vector<16xf32> to vector<16xf32>
    %sub3A_675 = arith.subf %get3A_671, %get3A_674 : vector<16xf32>
    %add3A_676 = arith.constant 9.99999997E-7 : f32
    %add3A_677 = vector.broadcast %add3A_676 : f32 to vector<16xf32>
    %add3A_678 = arith.addf %sub3A_675, %add3A_677 : vector<16xf32>
    %abs3A_679 = math.absf %add3A_678 : vector<16xf32>
    %get3A_680 = arith.constant 240 : index
    %get3A_681 = tpu.vector_load %arg16[%get3A_680] {strides = array<i32>} : memref<256xf32, #tpu.memory_space<vmem>>, vector<16xf32>,
    %get3A_682 = vector.shape_cast %get3A_681 : vector<16xf32> to vector<16xf32>
    %get3A_683 = arith.constant 240 : index
    %get3A_684 = tpu.vector_load %arg13[%get3A_683] {strides = array<i32>} : memref<256xf32, #tpu.memory_space<vmem>>, vector<16xf32>,
    %get3A_685 = vector.shape_cast %get3A_684 : vector<16xf32> to vector<16xf32>
    %sub3A_686 = arith.subf %get3A_682, %get3A_685 : vector<16xf32>
    %add3A_687 = arith.constant 9.99999997E-7 : f32
    %add3A_688 = vector.broadcast %add3A_687 : f32 to vector<16xf32>
    %add3A_689 = arith.addf %sub3A_686, %add3A_688 : vector<16xf32>
    %abs3A_690 = math.absf %add3A_689 : vector<16xf32>
    %mul3A_691 = arith.mulf %abs3A_668, %abs3A_668 : vector<16xf32>
    %mul3A_692 = arith.mulf %abs3A_679, %abs3A_679 : vector<16xf32>
    %add3A_693 = arith.addf %mul3A_691, %mul3A_692 : vector<16xf32>
    %mul3A_694 = arith.mulf %abs3A_690, %abs3A_690 : vector<16xf32>
    %add3A_695 = arith.addf %add3A_693, %mul3A_694 : vector<16xf32>
    %lt3A_696 = arith.constant 9.99999997E-7 : f32
    %lt3A_697 = vector.broadcast %lt3A_696 : f32 to vector<16xf32>
    %lt3A_698 = arith.cmpf olt, %add3A_695, %lt3A_697 : vector<16xf32>
    %select_n3A_699 = arith.select %lt3A_698, %broadcast_in_dim3A_15, %broadcast_in_dim3A_17 : vector<16xi1>, vector<16xf32>
    %add3A_700 = arith.addf %add3A_657, %select_n3A_699 : vector<16xf32>
    %swap3A = arith.constant 0 : index
    %swap3A_701 = tpu.vector_load %arg17[%swap3A] {strides = array<i32>} : memref<16xf32, #tpu.memory_space<vmem>>, vector<16xf32>,
    %swap3A_702 = vector.shape_cast %swap3A_701 : vector<16xf32> to vector<16xf32>
    %swap3A_703 = vector.shape_cast %add3A_700 : vector<16xf32> to vector<16xf32>
    tpu.vector_store %arg17[%swap3A], %swap3A_703 {strides = array<i32>} : memref<16xf32, #tpu.memory_space<vmem>>, vector<16xf32>,
    "tpu.region"() ({
      %run_scoped3A = tpu.sem_alloc : memref<!tpu.dma_semaphore, #tpu.memory_space<semaphore_mem>>
      %dma_start3A_704 = arith.constant 0 : i32
      %dma_start3A_705 = tpu.memref_slice %arg9[%add3A, %dma_start3A_704] : memref<32x16xf32, #tpu.memory_space<hbm>> -> memref<1x16xf32, #tpu.memory_space<hbm>>
      %dma_start3A_706 = tpu.memref_squeeze %dma_start3A_705 : memref<1x16xf32, #tpu.memory_space<hbm>> -> memref<16xf32, #tpu.memory_space<hbm>>
      %dma_start3A_707 = arith.constant 0 : i32
      %dma_start3A_708 = tpu.memref_slice %arg9[%add3A, %dma_start3A_707] : memref<32x16xf32, #tpu.memory_space<hbm>> -> memref<1x16xf32, #tpu.memory_space<hbm>>
      %dma_start3A_709 = tpu.memref_squeeze %dma_start3A_708 : memref<1x16xf32, #tpu.memory_space<hbm>> -> memref<16xf32, #tpu.memory_space<hbm>>
      tpu.enqueue_dma source(%arg17 : memref<16xf32, #tpu.memory_space<vmem>>) target(%dma_start3A_709 : memref<16xf32, #tpu.memory_space<hbm>>) target_semaphore(%run_scoped3A : memref<!tpu.dma_semaphore, #tpu.memory_space<semaphore_mem>>)
      %dma_wait3A_710 = arith.constant 0 : i32
      %dma_wait3A_711 = tpu.memref_slice %arg9[%add3A, %dma_wait3A_710] : memref<32x16xf32, #tpu.memory_space<hbm>> -> memref<1x16xf32, #tpu.memory_space<hbm>>
      %dma_wait3A_712 = tpu.memref_squeeze %dma_wait3A_711 : memref<1x16xf32, #tpu.memory_space<hbm>> -> memref<16xf32, #tpu.memory_space<hbm>>
      %dma_wait3A_713 = arith.constant 0 : i32
      %dma_wait3A_714 = tpu.memref_slice %arg9[%add3A, %dma_wait3A_713] : memref<32x16xf32, #tpu.memory_space<hbm>> -> memref<1x16xf32, #tpu.memory_space<hbm>>
      %dma_wait3A_715 = tpu.memref_squeeze %dma_wait3A_714 : memref<1x16xf32, #tpu.memory_space<hbm>> -> memref<16xf32, #tpu.memory_space<hbm>>
      tpu.wait_dma2 semaphore(%run_scoped3A : memref<!tpu.dma_semaphore, #tpu.memory_space<semaphore_mem>>) src(%arg17 : memref<16xf32, #tpu.memory_space<vmem>>) dst(%dma_wait3A_715 : memref<16xf32, #tpu.memory_space<hbm>>)
      tpu.yield
    }) : () -> ()
    return
  }
}

module attributes {stable_mosaic.version = 14 : i64} {
  func.func @_topk2_body(%arg0: i32, %arg1: i32, %arg2: memref<256x8xf32, #tpu.memory_space<vmem>>, %arg3: memref<8x1024xf32, #tpu.memory_space<vmem>>, %arg4: memref<256x1xi32, #tpu.memory_space<vmem>>, %arg5: memref<256x1024xf32, #tpu.memory_space<vmem>>, %arg6: memref<256x1024xi32, #tpu.memory_space<vmem>>, %arg7: memref<256x1024xf32, #tpu.memory_space<vmem>>, %arg8: memref<256x1024xi32, #tpu.memory_space<vmem>>) attributes {dimension_semantics = [#tpu.dimension_semantics<arbitrary>, #tpu.dimension_semantics<arbitrary>], iteration_bounds = array<i64: 32, 8>, scalar_prefetch = 0 : i64, scratch_operands = 4 : i64, tpu.core_type = #tpu.core_type<tc>, window_params = [{transform_indices = @transform_0, window_bounds = array<i64: 256, 8>}, {transform_indices = @transform_1, window_bounds = array<i64: 8, 1024>}, {transform_indices = @transform_2, window_bounds = array<i64: 256, 1>}]} {
    %eq3A = arith.constant 0 : i32
    %eq3A_0 = arith.cmpi eq, %arg1, %eq3A : i32
    %convert_element_type3A = arith.extui %eq3A_0 : i1 to i32
    %cond3A = arith.constant 0 : i32
    %cond3A_1 = arith.cmpi ne, %convert_element_type3A, %cond3A : i32
    scf.if %cond3A_1 {
      %broadcast_in_dim3A_62 = arith.constant 0x7F800000 : f32
      %broadcast_in_dim3A_63 = vector.broadcast %broadcast_in_dim3A_62 : f32 to vector<256x1024xf32>
      %swap3A_64 = arith.constant 0 : index
      %swap3A_65 = arith.constant 0 : index
      %swap3A_66 = vector.load %arg5[%swap3A_64, %swap3A_65] : memref<256x1024xf32, #tpu.memory_space<vmem>>, vector<256x1024xf32>
      tpu.vector_store %arg5[%swap3A_64, %swap3A_65], %broadcast_in_dim3A_63 {strides = array<i32>} : memref<256x1024xf32, #tpu.memory_space<vmem>>, vector<256x1024xf32>,
      %broadcast_in_dim3A_67 = arith.constant 0x7F800000 : f32
      %broadcast_in_dim3A_68 = vector.broadcast %broadcast_in_dim3A_67 : f32 to vector<256x1024xf32>
      %swap3A_69 = arith.constant 0 : index
      %swap3A_70 = arith.constant 0 : index
      %swap3A_71 = vector.load %arg7[%swap3A_69, %swap3A_70] : memref<256x1024xf32, #tpu.memory_space<vmem>>, vector<256x1024xf32>
      tpu.vector_store %arg7[%swap3A_69, %swap3A_70], %broadcast_in_dim3A_68 {strides = array<i32>} : memref<256x1024xf32, #tpu.memory_space<vmem>>, vector<256x1024xf32>,
      %broadcast_in_dim3A_72 = arith.constant 0 : i32
      %broadcast_in_dim3A_73 = vector.broadcast %broadcast_in_dim3A_72 : i32 to vector<256x1024xi32>
      %swap3A_74 = arith.constant 0 : index
      %swap3A_75 = arith.constant 0 : index
      %swap3A_76 = vector.load %arg6[%swap3A_74, %swap3A_75] : memref<256x1024xi32, #tpu.memory_space<vmem>>, vector<256x1024xi32>
      tpu.vector_store %arg6[%swap3A_74, %swap3A_75], %broadcast_in_dim3A_73 {strides = array<i32>} : memref<256x1024xi32, #tpu.memory_space<vmem>>, vector<256x1024xi32>,
      %broadcast_in_dim3A_77 = arith.constant 0 : i32
      %broadcast_in_dim3A_78 = vector.broadcast %broadcast_in_dim3A_77 : i32 to vector<256x1024xi32>
      %swap3A_79 = arith.constant 0 : index
      %swap3A_80 = arith.constant 0 : index
      %swap3A_81 = vector.load %arg8[%swap3A_79, %swap3A_80] : memref<256x1024xi32, #tpu.memory_space<vmem>>, vector<256x1024xi32>
      tpu.vector_store %arg8[%swap3A_79, %swap3A_80], %broadcast_in_dim3A_78 {strides = array<i32>} : memref<256x1024xi32, #tpu.memory_space<vmem>>, vector<256x1024xi32>,
    } else {
    }
    %get3A = arith.constant 0 : index
    %get3A_2 = arith.constant 0 : index
    %get3A_3 = vector.load %arg2[%get3A, %get3A_2] : memref<256x8xf32, #tpu.memory_space<vmem>>, vector<256x8xf32>
    %get3A_4 = arith.constant 0 : index
    %get3A_5 = arith.constant 0 : index
    %get3A_6 = vector.load %arg3[%get3A_4, %get3A_5] : memref<8x1024xf32, #tpu.memory_space<vmem>>, vector<8x1024xf32>
    %slice3A = vector.extract_strided_slice %get3A_3 {offsets = [0, 0], sizes = [256, 1], strides = [1, 1]} : vector<256x8xf32> to vector<256x1xf32>
    %slice3A_7 = vector.extract_strided_slice %get3A_6 {offsets = [0, 0], sizes = [1, 1024], strides = [1, 1]} : vector<8x1024xf32> to vector<1x1024xf32>
    %sub3A = vector.broadcast %slice3A : vector<256x1xf32> to vector<256x1024xf32>
    %sub3A_8 = vector.broadcast %slice3A_7 : vector<1x1024xf32> to vector<256x1024xf32>
    %sub3A_9 = arith.subf %sub3A, %sub3A_8 : vector<256x1024xf32>
    %slice3A_10 = vector.extract_strided_slice %get3A_3 {offsets = [0, 1], sizes = [256, 1], strides = [1, 1]} : vector<256x8xf32> to vector<256x1xf32>
    %slice3A_11 = vector.extract_strided_slice %get3A_6 {offsets = [1, 0], sizes = [1, 1024], strides = [1, 1]} : vector<8x1024xf32> to vector<1x1024xf32>
    %sub3A_12 = vector.broadcast %slice3A_10 : vector<256x1xf32> to vector<256x1024xf32>
    %sub3A_13 = vector.broadcast %slice3A_11 : vector<1x1024xf32> to vector<256x1024xf32>
    %sub3A_14 = arith.subf %sub3A_12, %sub3A_13 : vector<256x1024xf32>
    %slice3A_15 = vector.extract_strided_slice %get3A_3 {offsets = [0, 2], sizes = [256, 1], strides = [1, 1]} : vector<256x8xf32> to vector<256x1xf32>
    %slice3A_16 = vector.extract_strided_slice %get3A_6 {offsets = [2, 0], sizes = [1, 1024], strides = [1, 1]} : vector<8x1024xf32> to vector<1x1024xf32>
    %sub3A_17 = vector.broadcast %slice3A_15 : vector<256x1xf32> to vector<256x1024xf32>
    %sub3A_18 = vector.broadcast %slice3A_16 : vector<1x1024xf32> to vector<256x1024xf32>
    %sub3A_19 = arith.subf %sub3A_17, %sub3A_18 : vector<256x1024xf32>
    %mul3A = arith.mulf %sub3A_9, %sub3A_9 : vector<256x1024xf32>
    %mul3A_20 = arith.mulf %sub3A_14, %sub3A_14 : vector<256x1024xf32>
    %add3A = arith.addf %mul3A, %mul3A_20 : vector<256x1024xf32>
    %mul3A_21 = arith.mulf %sub3A_19, %sub3A_19 : vector<256x1024xf32>
    %add3A_22 = arith.addf %add3A, %mul3A_21 : vector<256x1024xf32>
    %iota3A = tpu.iota {dimensions = array<i32: 1>} : vector<1x1024xi32>
    %mul3A_23 = arith.constant 1024 : i32
    %mul3A_24 = arith.muli %arg1, %mul3A_23 : i32
    %add3A_25 = vector.broadcast %mul3A_24 : i32 to vector<1x1024xi32>
    %add3A_26 = arith.addi %iota3A, %add3A_25 : vector<1x1024xi32>
    %broadcast_in_dim3A = vector.shape_cast %add3A_26 : vector<1x1024xi32> to vector<1x1024xi32>
    %broadcast_in_dim3A_27 = vector.broadcast %broadcast_in_dim3A : vector<1x1024xi32> to vector<256x1024xi32>
    %get3A_28 = arith.constant 0 : index
    %get3A_29 = arith.constant 0 : index
    %get3A_30 = vector.load %arg5[%get3A_28, %get3A_29] : memref<256x1024xf32, #tpu.memory_space<vmem>>, vector<256x1024xf32>
    %get3A_31 = arith.constant 0 : index
    %get3A_32 = arith.constant 0 : index
    %get3A_33 = vector.load %arg7[%get3A_31, %get3A_32] : memref<256x1024xf32, #tpu.memory_space<vmem>>, vector<256x1024xf32>
    %get3A_34 = arith.constant 0 : index
    %get3A_35 = arith.constant 0 : index
    %get3A_36 = vector.load %arg6[%get3A_34, %get3A_35] : memref<256x1024xi32, #tpu.memory_space<vmem>>, vector<256x1024xi32>
    %get3A_37 = arith.constant 0 : index
    %get3A_38 = arith.constant 0 : index
    %get3A_39 = vector.load %arg8[%get3A_37, %get3A_38] : memref<256x1024xi32, #tpu.memory_space<vmem>>, vector<256x1024xi32>
    %lt3A = arith.cmpf olt, %add3A_22, %get3A_30 : vector<256x1024xf32>
    %lt3A_40 = arith.cmpf olt, %add3A_22, %get3A_33 : vector<256x1024xf32>
    %select_n3A = arith.select %lt3A_40, %add3A_22, %get3A_33 : vector<256x1024xi1>, vector<256x1024xf32>
    %select_n3A_41 = arith.select %lt3A, %get3A_30, %select_n3A : vector<256x1024xi1>, vector<256x1024xf32>
    %swap3A = arith.constant 0 : index
    %swap3A_42 = arith.constant 0 : index
    %swap3A_43 = vector.load %arg7[%swap3A, %swap3A_42] : memref<256x1024xf32, #tpu.memory_space<vmem>>, vector<256x1024xf32>
    tpu.vector_store %arg7[%swap3A, %swap3A_42], %select_n3A_41 {strides = array<i32>} : memref<256x1024xf32, #tpu.memory_space<vmem>>, vector<256x1024xf32>,
    %select_n3A_44 = arith.select %lt3A_40, %broadcast_in_dim3A_27, %get3A_39 : vector<256x1024xi1>, vector<256x1024xi32>
    %select_n3A_45 = arith.select %lt3A, %get3A_36, %select_n3A_44 : vector<256x1024xi1>, vector<256x1024xi32>
    %swap3A_46 = arith.constant 0 : index
    %swap3A_47 = arith.constant 0 : index
    %swap3A_48 = vector.load %arg8[%swap3A_46, %swap3A_47] : memref<256x1024xi32, #tpu.memory_space<vmem>>, vector<256x1024xi32>
    tpu.vector_store %arg8[%swap3A_46, %swap3A_47], %select_n3A_45 {strides = array<i32>} : memref<256x1024xi32, #tpu.memory_space<vmem>>, vector<256x1024xi32>,
    %select_n3A_49 = arith.select %lt3A, %add3A_22, %get3A_30 : vector<256x1024xi1>, vector<256x1024xf32>
    %swap3A_50 = arith.constant 0 : index
    %swap3A_51 = arith.constant 0 : index
    %swap3A_52 = vector.load %arg5[%swap3A_50, %swap3A_51] : memref<256x1024xf32, #tpu.memory_space<vmem>>, vector<256x1024xf32>
    tpu.vector_store %arg5[%swap3A_50, %swap3A_51], %select_n3A_49 {strides = array<i32>} : memref<256x1024xf32, #tpu.memory_space<vmem>>, vector<256x1024xf32>,
    %select_n3A_53 = arith.select %lt3A, %broadcast_in_dim3A_27, %get3A_36 : vector<256x1024xi1>, vector<256x1024xi32>
    %swap3A_54 = arith.constant 0 : index
    %swap3A_55 = arith.constant 0 : index
    %swap3A_56 = vector.load %arg6[%swap3A_54, %swap3A_55] : memref<256x1024xi32, #tpu.memory_space<vmem>>, vector<256x1024xi32>
    tpu.vector_store %arg6[%swap3A_54, %swap3A_55], %select_n3A_53 {strides = array<i32>} : memref<256x1024xi32, #tpu.memory_space<vmem>>, vector<256x1024xi32>,
    %eq3A_57 = arith.constant 7 : i32
    %eq3A_58 = arith.cmpi eq, %arg1, %eq3A_57 : i32
    %convert_element_type3A_59 = arith.extui %eq3A_58 : i1 to i32
    %cond3A_60 = arith.constant 0 : i32
    %cond3A_61 = arith.cmpi ne, %convert_element_type3A_59, %cond3A_60 : i32
    scf.if %cond3A_61 {
      %get3A_62 = arith.constant 0 : index
      %get3A_63 = arith.constant 0 : index
      %get3A_64 = vector.load %arg5[%get3A_62, %get3A_63] : memref<256x1024xf32, #tpu.memory_space<vmem>>, vector<256x1024xf32>
      %get3A_65 = arith.constant 0 : index
      %get3A_66 = arith.constant 0 : index
      %get3A_67 = vector.load %arg6[%get3A_65, %get3A_66] : memref<256x1024xi32, #tpu.memory_space<vmem>>, vector<256x1024xi32>
      %get3A_68 = arith.constant 0 : index
      %get3A_69 = arith.constant 0 : index
      %get3A_70 = vector.load %arg7[%get3A_68, %get3A_69] : memref<256x1024xf32, #tpu.memory_space<vmem>>, vector<256x1024xf32>
      %get3A_71 = arith.constant 0 : index
      %get3A_72 = arith.constant 0 : index
      %get3A_73 = vector.load %arg8[%get3A_71, %get3A_72] : memref<256x1024xi32, #tpu.memory_space<vmem>>, vector<256x1024xi32>
      %reduce_min3A = arith.constant dense<0x7F800000> : vector<256xf32>
      %reduce_min3A_74 = vector.multi_reduction <minimumf>, %get3A_64, %reduce_min3A [1] : vector<256x1024xf32> to vector<256xf32>
      %broadcast_in_dim3A_75 = vector.shape_cast %reduce_min3A_74 : vector<256xf32> to vector<256x1xf32>
      %eq3A_76 = vector.broadcast %broadcast_in_dim3A_75 : vector<256x1xf32> to vector<256x1024xf32>
      %eq3A_77 = arith.cmpf oeq, %get3A_64, %eq3A_76 : vector<256x1024xf32>
      %jit3A = arith.constant 1073741824 : i32
      %broadcast_in_dim3A_78 = vector.broadcast %jit3A : i32 to vector<256x1024xi32>
      %select_n3A_79 = arith.select %eq3A_77, %get3A_67, %broadcast_in_dim3A_78 : vector<256x1024xi1>, vector<256x1024xi32>
      %reduce_min3A_80 = arith.constant dense<2147483647> : vector<256xi32>
      %reduce_min3A_81 = vector.multi_reduction <minsi>, %select_n3A_79, %reduce_min3A_80 [1] : vector<256x1024xi32> to vector<256xi32>
      %broadcast_in_dim3A_82 = vector.shape_cast %reduce_min3A_81 : vector<256xi32> to vector<256x1xi32>
      %eq3A_83 = vector.broadcast %broadcast_in_dim3A_82 : vector<256x1xi32> to vector<256x1024xi32>
      %eq3A_84 = arith.cmpi eq, %get3A_67, %eq3A_83 : vector<256x1024xi32>
      %and3A = arith.andi %eq3A_77, %eq3A_84 : vector<256x1024xi1>
      %select_n3A_85 = arith.select %and3A, %get3A_70, %get3A_64 : vector<256x1024xi1>, vector<256x1024xf32>
      %select_n3A_86 = arith.select %and3A, %get3A_73, %get3A_67 : vector<256x1024xi1>, vector<256x1024xi32>
      %reduce_min3A_87 = arith.constant dense<0x7F800000> : vector<256xf32>
      %reduce_min3A_88 = vector.multi_reduction <minimumf>, %select_n3A_85, %reduce_min3A_87 [1] : vector<256x1024xf32> to vector<256xf32>
      %broadcast_in_dim3A_89 = vector.shape_cast %reduce_min3A_88 : vector<256xf32> to vector<256x1xf32>
      %eq3A_90 = vector.broadcast %broadcast_in_dim3A_89 : vector<256x1xf32> to vector<256x1024xf32>
      %eq3A_91 = arith.cmpf oeq, %select_n3A_85, %eq3A_90 : vector<256x1024xf32>
      %jit3A_92 = arith.constant 1073741824 : i32
      %broadcast_in_dim3A_93 = vector.broadcast %jit3A_92 : i32 to vector<256x1024xi32>
      %select_n3A_94 = arith.select %eq3A_91, %select_n3A_86, %broadcast_in_dim3A_93 : vector<256x1024xi1>, vector<256x1024xi32>
      %reduce_min3A_95 = arith.constant dense<2147483647> : vector<256xi32>
      %reduce_min3A_96 = vector.multi_reduction <minsi>, %select_n3A_94, %reduce_min3A_95 [1] : vector<256x1024xi32> to vector<256xi32>
      %broadcast_in_dim3A_97 = vector.shape_cast %reduce_min3A_96 : vector<256xi32> to vector<256x1xi32>
      %swap3A_98 = arith.constant 0 : index
      %swap3A_99 = arith.constant 0 : index
      %swap3A_100 = vector.load %arg4[%swap3A_98, %swap3A_99] : memref<256x1xi32, #tpu.memory_space<vmem>>, vector<256x1xi32>
      tpu.vector_store %arg4[%swap3A_98, %swap3A_99], %broadcast_in_dim3A_97 {strides = array<i32>} : memref<256x1xi32, #tpu.memory_space<vmem>>, vector<256x1xi32>,
    } else {
    }
    return
  }
  func.func @transform_0(%arg0: i32, %arg1: i32) -> (i32, i32) {
    %c0_i32 = arith.constant 0 : i32
    %c0_i32_0 = arith.constant 0 : i32
    return %arg0, %c0_i32 : i32, i32
  }
  func.func @transform_1(%arg0: i32, %arg1: i32) -> (i32, i32) {
    %c0_i32 = arith.constant 0 : i32
    %c0_i32_0 = arith.constant 0 : i32
    return %c0_i32, %arg1 : i32, i32
  }
  func.func @transform_2(%arg0: i32, %arg1: i32) -> (i32, i32) {
    %c0_i32 = arith.constant 0 : i32
    %c0_i32_0 = arith.constant 0 : i32
    return %arg0, %c0_i32 : i32, i32
  }
}

</mosaic_0001>

<sc_bundles>
// kernel: kernel.4.cloned.1.call-start
scs
__scs_entry_jumppad:
0x0: {  	(pc) =	sbr.rel $0x88, $3  }
0x1: {  	(tag) =	ssettag $0x0;
	lr =	simm.s32 $0x1  }
0x2: {  	[smem:$0x3F9F] =	sst lr;
	_ =	strace $0xD0000000  }
0x3: {  	_ = 	snop  }
0x4: {  	_ = 	snop  }
0x5: {  	_ = 	snop  }
0x6: {  	_ = 	snop  }
0x7: {  	_ = 	snop  }
__scs_overlays_trampoline_lowered:
0x8: {  	[smem:$0x3FAE] =	sst s0  }
0x9: {  	[smem:$0x3FAF] =	sst s1  }
0xa: {  	[smem:$0x3FB0] =	sst s2  }
0xb: {  	[smem:$0x3FB1] =	sst s3  }
0xc: {  	[smem:$0x3FB2] =	sst s4  }
0xd: {  	[smem:$0x3FB3] =	sst s5  }
0xe: {  	[smem:$0x3FB4] =	sst s6  }
0xf: {  	[smem:$0x3FB5] =	sst s7  }
0x10: {  	[smem:$0x3FB6] =	sst s8  }
0x11: {  	[smem:$0x3FB7] =	sst s9;
	s0 =	simm.s32 @!p0 $0x0  }
0x12: {  	s1 =	sld [smem:$0x3F9D];
	s0 =	simm.s32 @p0 $0x1  }
0x13: {  	[smem:$0x3FB8] =	sst s0;
	s0 =	simm.s32 @!p1 $0x0  }
0x14: {  	s2 =	sld [smem:$0x3F9C];
	s0 =	simm.s32 @p1 $0x1  }
0x15: {  	[smem:$0x3FB9] =	sst s0;
	s0 =	simm.s32 @!p2 $0x0  }
0x16: {  	s3 =	sld [smem:$0x3FDB];
	s0 =	simm.s32 @p2 $0x1  }
0x17: {  	s4 =	simm.s32 $0x1BF5;
	[smem:$0x3FBB] =	sst s0  }
0x18: {  	s0 =	sld [smem:$0x3F9E];
	_ =	swait.ge [sflag:s4], $0x0  }
0x19: {  	s7 =	sld [smem:$0x3F9F]  }
0x1a: {  	s8 =	sadd.s32 $0xFFFFE003, lr  }
0x1b: {  	s9 =	sadd.s32 $0xFFFFFEF7, lr;
	s5 =	simm.s32 $0xFFFFFFFF;
	p2 =	slt.u32 s8, $0xFFFFF086  }
0x1c: {  	p1 =	slt.u32 s9, $0xF7A;
	s5 =	simm.s32 @!p2 $0x0  }
0x1d: {  	s5 =	simm.s32 @p1 $0x1;
	p0 =	seq.s32 s7, s2  }
0x1e: {  	s7 =	smul.u32 @!p0 $0xF7A, s2;
	p2 =	seq.s32 @!p0 s5, $0x0  }
0x1f: {  	s9 =	smul.u32 $0xF7A, s1;
	s8 =	simm.s32 @!p0 $0x1BF5;
	p2 =	por !p2, p0  }
0x20: {  	[sflag:s8] =	ssyncset.s32 @!p0 $0xFFFFF086;
	s6 =	sadd.s32 @!p0 s3, s7;
	s7 =	simm.s32 @!p0 $0x108  }
0x21: {  	s3 =	sadd.s32 s3, s9;
	s6 =	sadd.s32 @!p0 $0x88, s6;
	s7 =	simm.s32 @p2 $0x1082  }
0x22: {  	[simem:s7], [sflag:s8] =	dma.local @!p0 [hbm:s6], $0xF7A  }
0x23: {  	s9 =	sor.u32 $0xD0000000, s2;
	s6 =	simm.s32 $0x108;
	_ =	swait.ge @!p0 [sflag:s8], $0x0  }
0x24: {  	s3 =	sadd.s32 $0x88, s3;
	s6 =	simm.s32 @!p1 $0x1082;
	[sflag:s4] =	ssyncset.s32 $0xFFFFF086  }
0x25: {  	[simem:s6], [sflag:s4] =	dma.local [hbm:s3], $0xF7A  }
0x26: {  	[smem:$0x3F9F] =	sst s1;
	(tag) =	ssettag s2;
	_ =	strace s9  }
0x27: {  	s1 =	sld [smem:$0x3FAF]  }
0x28: {  	s2 =	sld [smem:$0x3FB0]  }
0x29: {  	s4 =	sld [smem:$0x3FB2]  }
0x2a: {  	p0 =	seq.s32 s5, $0x0;
	s5 =	sld [smem:$0x3FB3]  }
0x2b: {  	s6 =	sld [smem:$0x3FB4]  }
0x2c: {  	s7 =	sld [smem:$0x3FB5]  }
0x2d: {  	s3 =	simm.s32 $0x108;
	s8 =	sld [smem:$0x3FB6]  }
0x2e: {  	s3 =	simm.s32 @!p0 $0x1082;
	s9 =	sld [smem:$0x3FB7]  }
0x2f: {  	lr =	sadd.s32 s0, s3;
	s0 =	sld [smem:$0x3FAE]  }
0x30: {  	s3 =	sld [smem:$0x3FB1]  }
0x31: {  	[smem:$0x3FBA] =	sst s10  }
0x32: {  	s10 =	sld [smem:$0x3FB8];
	_ =	sdelay $0x3  }
0x33: {  	p0 =	seq.s32 s10, $0x1;
	s10 =	sld [smem:$0x3FBA];
	_ =	sdelay $0x3  }
0x34: {  	[smem:$0x3FBA] =	sst s10  }
0x35: {  	s10 =	sld [smem:$0x3FB9];
	_ =	sdelay $0x3  }
0x36: {  	p1 =	seq.s32 s10, $0x1;
	s10 =	sld [smem:$0x3FBA];
	_ =	sdelay $0x3  }
0x37: {  	[smem:$0x3FBA] =	sst s10  }
0x38: {  	s10 =	sld [smem:$0x3FBB]  }
0x39: {  	_ = 	snop;
	(pc) =	sbr.ind lr, $3  }
0x3a: {  	_ = 	snop  }
0x3b: {  	_ = 	snop  }
0x3c: {  	p2 =	seq.s32 s10, $0x1;
	s10 =	sld [smem:$0x3FBA]  }
0x3d: {  	_ =	shalt  }
0x3e: {  	_ =	shalt  }
0x3f: {  	_ =	shalt  }
0x40: {  	_ =	shalt  }
0x41: {  	_ =	shalt  }
0x42: {  	_ =	shalt  }
0x43: {  	_ =	shalt  }
0x44: {  	_ =	shalt  }
0x45: {  	_ =	shalt  }
0x46: {  	_ =	shalt  }
0x47: {  	_ =	shalt  }
0x48: {  	_ =	shalt  }
0x49: {  	_ =	shalt  }
0x4a: {  	_ =	shalt  }
0x4b: {  	_ =	shalt  }
0x4c: {  	_ =	shalt  }
0x4d: {  	_ =	shalt  }
0x4e: {  	_ =	shalt  }
0x4f: {  	_ =	shalt  }
0x50: {  	_ =	shalt  }
0x51: {  	_ =	shalt  }
0x52: {  	_ =	shalt  }
0x53: {  	_ =	shalt  }
0x54: {  	_ =	shalt  }
0x55: {  	_ =	shalt  }
0x56: {  	_ =	shalt  }
0x57: {  	_ =	shalt  }
0x58: {  	_ =	shalt  }
0x59: {  	_ =	shalt  }
0x5a: {  	_ =	shalt  }
0x5b: {  	_ =	shalt  }
0x5c: {  	_ =	shalt  }
0x5d: {  	_ =	shalt  }
0x5e: {  	_ =	shalt  }
0x5f: {  	_ =	shalt  }
0x60: {  	_ =	shalt  }
0x61: {  	_ =	shalt  }
0x62: {  	_ =	shalt  }
0x63: {  	_ =	shalt  }
0x64: {  	_ =	shalt  }
0x65: {  	_ =	shalt  }
0x66: {  	_ =	shalt  }
0x67: {  	_ =	shalt  }
0x68: {  	_ =	shalt  }
0x69: {  	_ =	shalt  }
0x6a: {  	_ =	shalt  }
0x6b: {  	_ =	shalt  }
0x6c: {  	_ =	shalt  }
0x6d: {  	_ =	shalt  }
0x6e: {  	_ =	shalt  }
0x6f: {  	_ =	shalt  }
0x70: {  	_ =	shalt  }
0x71: {  	_ =	shalt  }
0x72: {  	_ =	shalt  }
0x73: {  	_ =	shalt  }
0x74: {  	_ =	shalt  }
0x75: {  	_ =	shalt  }
0x76: {  	_ =	shalt  }
0x77: {  	_ =	shalt  }
0x78: {  	_ =	shalt  }
0x79: {  	_ =	shalt  }
0x7a: {  	_ =	shalt  }
0x7b: {  	_ =	shalt  }
0x7c: {  	_ =	shalt  }
0x7d: {  	_ =	shalt  }
0x7e: {  	_ =	shalt  }
0x7f: {  	_ =	shalt  }
0x80: {  	_ =	shalt  }
0x81: {  	_ =	shalt  }
0x82: {  	_ =	shalt  }
0x83: {  	_ =	shalt  }
0x84: {  	_ =	shalt  }
0x85: {  	_ =	shalt  }
0x86: {  	_ =	shalt  }
0x87: {  	_ =	shalt  }
.Lfunc_end0:
.L_simem_size_0:
called_computation_lowered:
.L_overlay_start_0:
0x88: {  	s2 =	sld [smem:$0x3FD9]  }
0x89: {  	s3 =	sld [smem:$0x3FFE];
	_ =	sdelay $0x1  }
0x8a: {  	s1 =	srdreg.scid  }
0x8b: {  	s0 =	sand.u32 $0x1, s1  }
0x8c: {  	s16 =	sshll.u32 s0, $0xA;
	s2 =	sadd.s32 s3, s2  }
0x8d: {  	s2 =	sadd.s32 s2, s16  }
0x8e: {  	[smem:$0x3FC6] =	sst s2  }
0x8f: {  	_ = 	snop  }
0x90: {  	(tm) =	ssettm $0x1  }
0x91: {  	s17 =	sld [smem:$0x3FFB];
	_ =	sdelay $0x3  }
0x92: {  	_ =	strace s17  }
0x93: {  	s2 =	sld [smem:$0x3FFC];
	_ =	sdelay $0x3  }
0x94: {  	_ =	strace s2  }
0x95: {  	s2 =	sld [smem:$0x3FFD];
	_ =	sdelay $0x3  }
0x96: {  	_ =	strace s2  }
0x97: {  	_ =	strace $0x8FFFFFFF  }
0x98: {  	s18 =	sld [smem:$0x3FDB];
	_ =	sdelay $0x1  }
0x99: {  	s19 =	simm.s32 $_scs_section_size  }
0x9a: {  	s4 =	simm.s32 $_size__tile_overlayer_lowered;
	s5 =	simm.s32 $_tile_overlayer_lowered  }
0x9b: {  	s22 =	simm.s32 $0x1BFF;
	s21 =	sshll.u32 s5, $0x1;
	s2 =	sadd.s32 s19, s18  }
0x9c: {  	s6 =	simm.s32 $0x0;
	s20 =	sshll.u32 s4, $0x1;
	s4 =	sadd.s32 s21, s2  }
0x9d: {  	[timem:s6], [sflag:s22] =	dma.local [hbm:s4], s20  }
0x9e: {  	_ =	swait.ge [sflag:s22], s20  }
0x9f: {  	s3 =	ssub.s32 $0x0, s20;
	[sflag:s22] =	ssyncset.done $0x0  }
0xa0: {  	[sflag:s22] =	ssyncadd.s32 s3;
	_ =	sdelay $0x1  }
0xa1: {  	s23 =	simm.s32 $0x1B8B  }
0xa2: {  	_ =	swait.ge [sflag:s23], $0x1  }
0xa3: {  	[sflag:s23] =	ssyncset.done $0x0  }
0xa4: {  	s25 =	simm.s32 $0x1B8E;
	s24 =	sld [smem:$0x3FFE];
	[sflag:s23] =	ssyncadd.s32 $0xFFFFFFFF  }
0xa5: {  	s26 =	simm.s32 $execute0_lowered;
	[smem:$0x3FD2] =	sst s25  }
0xa6: {  	s4 =	sshll.u32 s26, $0x1;
	_ =	strace $0x80000046;
	[dreg:$0x1] =	wrdreg $0xFFFFFFFF  }
0xa7: {  	s28 =	simm.s32 $_size_execute0_lowered;
	s2 =	sadd.s32 s2, s4;
	[dreg:$0x0] =	wrdreg $0x0  }
0xa8: {  	s4 =	sshll.u32 s28, $0x1;
	[dreg:$0x2] =	wrdreg s2  }
0xa9: {  	[dreg:$0x3] =	wrdreg s4  }
0xaa: {  	[dreg:$0x4] =	wrdreg $0xC0  }
0xab: {  	_ =	task [dreg:s6], $0x5FFFF  }
0xac: {  	[dreg:$0x1] =	wrdreg $0xFFFFFFFF  }
0xad: {  	[dreg:$0x0] =	wrdreg $0x60  }
0xae: {  	[dreg:$0x2] =	wrdreg s24  }
0xaf: {  	[dreg:$0x3] =	wrdreg $0x9  }
0xb0: {  	_ =	task.clear_ibuf [dreg:s6], $0x4FFFF;
	_ =	strace $0x90000046  }
0xb1: {  	s29 =	simm.s32 $0x9;
	_ =	strace $0x80000048  }
0xb2: {  	_ =	swait.ge [sflag:s29], $0x1  }
0xb3: {  	[sflag:s29] =	ssyncadd.s32 $0xFFFFFFFF  }
0xb4: {  	_ =	strace $0x90000048  }
0xb5: {  	_ =	sfence  }
0xb6: {  	s30 =	sld [smem:$0x0];
	_ =	sdelay $0x2  }
0xb7: {  	s31 =	sshll.u32 s1, $0xD;
	s1 =	sshrl.u32 s1, $0x2  }
0xb8: {  	s3 =	sand.u32 $0x4000, s31;
	s1 =	sadd.s32 s1, s30  }
0xb9: {  	s0 =	sor.u32 s3, s0;
	s1 =	sshll.u32 s1, $0x11  }
0xba: {  	s0 =	sor.u32 s1, s0  }
0xbb: {  	s0 =	sadd.s32 $0x8F2B, s0  }
0xbc: {  	[sflag:s0] =	ssyncadd.remote.s32 $0x1  }
0xbd: {  	_ =	sfence.sel $0xFFFF  }
0xbe: {  	[dreg:$0x0] =	wrdreg $0xFFFFFFFF;
	(pc) =	sbr.abs _section_cstart, $3  }
0xbf: {  	[dreg:$0x1] =	wrdreg $0xFFFFFFFF  }
0xc0: {  	_ =	task.clear_ibuf [dreg:s6], $0x2FFFF;
	_ =	strace $0x9FFFFFFF  }
0xc1: {  	(tm) =	ssettm $0x7FFFFFFF  }
tec
execute0_lowered:
.L_overlay_start_1:
0x0: {  	(tag) =	ssettag $0x1  }
0x1: {  	s0 =	srdreg.scid  }
0x2: {  	s7 =	rddreg [dreg:$0x0];
	s1 =	stileid.u32  }
0x3: {  	s2 =	simm.s32 $0x0;
	s13 =	simm.s32 $0x100;
	s14 =	simm.s32 $0x1  }
0x4: {  	s15 =	simm.s32 $0x200;
	s16 =	simm.s32 $0x300;
	s17 =	simm.s32 $0x400  }
0x5: {  	s18 =	simm.s32 $0x500;
	s6 =	sand.u32 $0x1, s0;
	s0 =	rddreg [dreg:$0x1]  }
0x6: {  	s19 =	simm.s32 $0x600;
	s20 =	simm.s32 $0x700;
	[smem:$0x7FF] =	sst s2  }
0x7: {  	s4 =	sadd.s32 $0x1200, s7;
	s10 =	sshll.u32 s1, $0x4;
	s5 =	sadd.s32 $0xE00, s7  }
0x8: {  	s3 =	sshll.u32 s6, $0x4;
	_ =	strace $0x80000047;
	s10 =	sand.u32 $0x70, s10  }
0x9: {  	s6 =	ssub.s32 $0x2, s6;
	s8 =	sor.u32 s1, s3;
	s10 =	sadd.s32 s10, s7  }
0xa: {  	s31 =	sshrl.u32 s6, $0x1;
	s3 =	sshll.u32 s8, $0x5;
	s8 =	sshll.u32 s8, $0x4  }
0xb: {  	s11 =	ssub.s32 s6, s31;
	s9 =	sadd.s32 s3, s7;
	s3 =	sadd.s32 $0x1600, s7  }
0xc: {  	s12 =	sand.u32 $0x180, s8;
	s11 =	smax.u32 s11, $0x1;
	s6 =	sadd.s32 $0x1A00, s9  }
0xd: {  	s7 =	sadd.s32 $0xA00, s9;
	s8 =	sadd.s32 $0x600, s9;
	s10 =	sadd.s32 s12, s10  }
0xe: {  	v0 =	vimm.f32 $0.0e+00;
	s9 =	sadd.s32 $0x200, s9;
	s12 =	simm.s32 $0x2;
	s10 =	sadd.s32 $0x1E00, s10  }
.LBB2_1:
0xf: {  	[tilespmem:s2], [sflag:$0x2] =	stream.linear.gather [hbm4b:s6+s2], $0x100, $0x38;
	[tilespmem:$0x780] =	vst v63  }
0x10: {  	_ =	swait.ge [sflag:s12], $0x100  }
0x11: {  	[sflag:s12] =	ssyncset.done $0x0  }
0x12: {  	[sflag:s12] =	ssyncadd.s32 $0xFFFFFF00  }
0x13: {  	[tilespmem:s13], [sflag:$0x1] =	stream.indirect.gather [hbm4b:s3+s13], $0x1, s2, s13, $0xb8;
	[tilespmem:$0x780] =	vst v63  }
0x14: {  	_ =	swait.ge [sflag:s14], $0x100  }
0x15: {  	[sflag:s14] =	ssyncset.done $0x0  }
0x16: {  	[sflag:s14] =	ssyncadd.s32 $0xFFFFFF00  }
0x17: {  	[tilespmem:s15], [sflag:$0x1] =	stream.indirect.gather [hbm4b:s4+s13], $0x1, s2, s13, $0xb8;
	[tilespmem:$0x780] =	vst v63  }
0x18: {  	_ =	swait.ge [sflag:s14], $0x100  }
0x19: {  	[sflag:s14] =	ssyncset.done $0x0  }
0x1a: {  	[sflag:s14] =	ssyncadd.s32 $0xFFFFFF00  }
0x1b: {  	[tilespmem:s16], [sflag:$0x1] =	stream.indirect.gather [hbm4b:s5+s13], $0x1, s2, s13, $0xb8;
	[tilespmem:$0x780] =	vst v63  }
0x1c: {  	_ =	swait.ge [sflag:s14], $0x100  }
0x1d: {  	[sflag:s14] =	ssyncset.done $0x0  }
0x1e: {  	[sflag:s14] =	ssyncadd.s32 $0xFFFFFF00  }
0x1f: {  	[tilespmem:s17], [sflag:$0x2] =	stream.linear.gather [hbm4b:s7+s2], $0x100, $0x38;
	[tilespmem:$0x780] =	vst v63  }
0x20: {  	_ =	swait.ge [sflag:s12], $0x100  }
0x21: {  	[sflag:s12] =	ssyncset.done $0x0  }
0x22: {  	[sflag:s12] =	ssyncadd.s32 $0xFFFFFF00  }
0x23: {  	[tilespmem:s18], [sflag:$0x2] =	stream.linear.gather [hbm4b:s8+s2], $0x100, $0x38;
	[tilespmem:$0x780] =	vst v63  }
0x24: {  	_ =	swait.ge [sflag:s12], $0x100  }
0x25: {  	[sflag:s12] =	ssyncset.done $0x0  }
0x26: {  	[sflag:s12] =	ssyncadd.s32 $0xFFFFFF00  }
0x27: {  	[tilespmem:s19], [sflag:$0x2] =	stream.linear.gather [hbm4b:s9+s2], $0x100, $0x38;
	[tilespmem:$0x780] =	vst v63  }
0x28: {  	_ =	swait.ge [sflag:s12], $0x100  }
0x29: {  	[sflag:s12] =	ssyncset.done $0x0  }
0x2a: {  	[sflag:s12] =	ssyncadd.s32 $0xFFFFFF00  }
0x2b: {  	v1 =	vld [tilespmem:$0x400]  }
0x2c: {  	v2 =	vld [tilespmem:$0x100]  }
0x2d: {  	v3 =	vld [tilespmem:$0x500]  }
0x2e: {  	v4 =	vld [tilespmem:$0x200]  }
0x2f: {  	v5 =	vld [tilespmem:$0x600]  }
0x30: {  	v6 =	vld [tilespmem:$0x300]  }
0x31: {  	v7 =	vld [tilespmem:$0x410]  }
0x32: {  	v8 =	vld [tilespmem:$0x110]  }
0x33: {  	v9 =	vld [tilespmem:$0x510]  }
0x34: {  	v10 =	vld [tilespmem:$0x210]  }
0x35: {  	v11 =	vld [tilespmem:$0x610]  }
0x36: {  	v12 =	vld [tilespmem:$0x310]  }
0x37: {  	v13 =	vld [tilespmem:$0x420]  }
0x38: {  	v14 =	vld [tilespmem:$0x120]  }
0x39: {  	v15 =	vld [tilespmem:$0x520]  }
0x3a: {  	v16 =	vld [tilespmem:$0x220]  }
0x3b: {  	v17 =	vld [tilespmem:$0x620]  }
0x3c: {  	v18 =	vld [tilespmem:$0x320]  }
0x3d: {  	v19 =	vld [tilespmem:$0x430]  }
0x3e: {  	v20 =	vld [tilespmem:$0x130]  }
0x3f: {  	v39 =	vld [tilespmem:$0x230]  }
0x40: {  	v21 =	vld [tilespmem:$0x630]  }
0x41: {  	v40 =	vld [tilespmem:$0x330]  }
0x42: {  	v22 =	vld [tilespmem:$0x440]  }
0x43: {  	v23 =	vld [tilespmem:$0x140]  }
0x44: {  	v24 =	vld [tilespmem:$0x540]  }
0x45: {  	v42 =	vld [tilespmem:$0x240]  }
0x46: {  	v45 =	vld [tilespmem:$0x640]  }
0x47: {  	v46 =	vld [tilespmem:$0x340]  }
0x48: {  	v47 =	vld [tilespmem:$0x450]  }
0x49: {  	v50 =	vld [tilespmem:$0x150]  }
0x4a: {  	v52 =	vld [tilespmem:$0x550];
	v1 =	vsub.f32 v1, v2;
	v3 =	vsub.f32 v3, v4  }
0x4b: {  	v53 =	vld [tilespmem:$0x250];
	v5 =	vsub.f32 v5, v6  }
0x4c: {  	v56 =	vld [tilespmem:$0x650];
	v1 =	vadd.f32 $9.999999970e-07, v1;
	v3 =	vadd.f32 $9.999999970e-07, v3  }
0x4d: {  	v58 =	vld [tilespmem:$0x350]  }
0x4e: {  	v62 =	vld [tilespmem:$0x160];
	v5 =	vadd.f32 $9.999999970e-07, v5;
	v1 =	vmul.f32 v1, v1;
	v3 =	vmul.f32 v3, v3  }
0x4f: {  	v63 =	vld [tilespmem:$0x560];
	v43 =	vsub.f32 v9, v10  }
0x50: {  	v27 =	vld [tilespmem:$0x260];
	v41 =	vsub.f32 v7, v8;
	v1 =	vadd.f32 v3, v1;
	v3 =	vmul.f32 v5, v5  }
0x51: {  	v28 =	vld [tilespmem:$0x660];
	v44 =	vsub.f32 v11, v12;
	v8 =	vadd.f32 $9.999999970e-07, v43  }
0x52: {  	v29 =	vld [tilespmem:$0x360];
	v1 =	vadd.f32 v3, v1;
	v3 =	vadd.f32 $9.999999970e-07, v41  }
0x53: {  	v2 =	vld [tilespmem:$0x530];
	v48 =	vsub.f32 v13, v14;
	v49 =	vsub.f32 v15, v16  }
0x54: {  	v31 =	vld [tilespmem:$0x470];
	v9 =	vadd.f32 $9.999999970e-07, v44;
	v8 =	vmul.f32 v8, v8;
	v3 =	vmul.f32 v3, v3  }
0x55: {  	v33 =	vld [tilespmem:$0x170];
	v51 =	vsub.f32 v17, v18;
	v57 =	vsub.f32 v19, v20  }
0x56: {  	v34 =	vld [tilespmem:$0x570];
	v32 =	vsub.f32 v22, v23;
	v54 =	vmul.f32 v9, v9;
	v3 =	vadd.f32 v8, v3  }
0x57: {  	v35 =	vld [tilespmem:$0x270];
	v11 =	vsub.f32 v47, v50;
	v16 =	vsub.f32 v52, v53  }
0x58: {  	v36 =	vld [tilespmem:$0x670];
	v2 =	vsub.f32 v2, v39;
	vm0 =	vlt.f32 v1, $9.999999970e-07;
	v1 =	vadd.f32 v54, v3  }
0x59: {  	v37 =	vld [tilespmem:$0x370];
	v15 =	vsub.f32 v56, v58;
	v61 =	vadd.f32 $9.999999970e-07, v57  }
0x5a: {  	v38 =	vld [tilespmem:$0x480];
	vm1 =	vlt.f32 v1, $9.999999970e-07;
	v1 =	vadd.f32 $9.999999970e-07, v2;
	v2 =	vsub.f32 v21, v40  }
0x5b: {  	v47 =	vld [tilespmem:$0x490];
	v12 =	vadd.f32 $9.999999970e-07, v48;
	v13 =	vadd.f32 $9.999999970e-07, v49  }
0x5c: {  	v50 =	vld [tilespmem:$0x590];
	v9 =	vmul.f32 v61, v61;
	v2 =	vadd.f32 $9.999999970e-07, v2;
	v1 =	vmul.f32 v1, v1  }
0x5d: {  	v52 =	vld [tilespmem:$0x690];
	v55 =	vadd.f32 $9.999999970e-07, v51;
	v12 =	vmul.f32 v12, v12;
	v13 =	vmul.f32 v13, v13  }
0x5e: {  	v6 =	vsub.f32 v63, v27;
	v53 =	vld [tilespmem:$0x390];
	v1 =	vadd.f32 v1, v9;
	v2 =	vmul.f32 v2, v2  }
0x5f: {  	v44 =	vld [tilespmem:$0x680];
	v60 =	vmul.f32 v55, v55;
	v59 =	vadd.f32 v13, v12;
	v5 =	vsub.f32 v45, v46  }
0x60: {  	v46 =	vld [tilespmem:$0x380];
	v1 =	vadd.f32 v2, v1;
	v2 =	vsub.f32 v24, v42  }
0x61: {  	v18 =	vadd.f32 $9.999999970e-07, v32;
	v4 =	vadd.f32 v60, v59;
	v59 =	vld [tilespmem:$0x6A0]  }
0x62: {  	v15 =	vadd.f32 $9.999999970e-07, v15;
	v60 =	vld [tilespmem:$0x3A0];
	v2 =	vadd.f32 $9.999999970e-07, v2  }
0x63: {  	v18 =	vmul.f32 v18, v18;
	v55 =	vsub.f32 v36, v37;
	v5 =	vadd.f32 $9.999999970e-07, v5;
	v3 =	vld [tilespmem:$0x460]  }
0x64: {  	v56 =	vld [tilespmem:$0x1A0];
	vm14 =	vlt.f32 v4, $9.999999970e-07;
	v4 =	vsub.f32 v28, v29;
	v2 =	vmul.f32 v2, v2  }
0x65: {  	v58 =	vld [tilespmem:$0x2A0];
	v39 =	vadd.f32 $9.999999970e-07, v16;
	v45 =	vmul.f32 v15, v15;
	v10 =	vadd.f32 $9.999999970e-07, v55  }
0x66: {  	v63 =	vld [tilespmem:$0x1B0];
	v5 =	vmul.f32 v5, v5;
	v4 =	vadd.f32 $9.999999970e-07, v4;
	v2 =	vadd.f32 v2, v18  }
0x67: {  	v25 =	vsel vm0, $0x3F800000, v0;
	v8 =	vsub.f32 v44, v46;
	v15 =	vsub.f32 v59, v60;
	v54 =	vld [tilespmem:$0x4A0]  }
0x68: {  	v22 =	vld [tilespmem:$0x5B0];
	v30 =	vsel vm14, $0x3F800000, v0;
	v3 =	vsub.f32 v3, v62;
	v2 =	vadd.f32 v5, v2  }
0x69: {  	v32 =	vld [tilespmem:$0x3C0];
	v8 =	vadd.f32 $9.999999970e-07, v8;
	v36 =	vadd.f32 $9.999999970e-07, v15;
	v26 =	vsel vm1, $0x3F800000, v0  }
0x6a: {  	v40 =	vld [tilespmem:$0x180];
	v3 =	vadd.f32 $9.999999970e-07, v3;
	vm4 =	vlt.f32 v2, $9.999999970e-07;
	v2 =	vadd.f32 $9.999999970e-07, v6  }
0x6b: {  	v41 =	vld [tilespmem:$0x580];
	v13 =	vadd.f32 v26, v25;
	vm15 =	vlt.f32 v1, $9.999999970e-07;
	v1 =	vadd.f32 $9.999999970e-07, v11  }
0x6c: {  	v29 =	vld [tilespmem:$0x5C0];
	v7 =	vsub.f32 v54, v56;
	v3 =	vmul.f32 v3, v3;
	v2 =	vmul.f32 v2, v2  }
0x6d: {  	v62 =	vld [tilespmem:$0x4B0];
	v13 =	vadd.f32 v30, v13;
	v11 =	vmul.f32 v39, v39;
	v1 =	vmul.f32 v1, v1  }
0x6e: {  	v9 =	vsub.f32 v31, v33;
	v30 =	vld [tilespmem:$0x2C0];
	v2 =	vadd.f32 v2, v3;
	v3 =	vmul.f32 v4, v4  }
0x6f: {  	v16 =	vsub.f32 v38, v40;
	v42 =	vld [tilespmem:$0x280];
	v1 =	vadd.f32 v11, v1  }
0x70: {  	v31 =	vld [tilespmem:$0x6C0];
	v2 =	vadd.f32 v3, v2;
	v3 =	vsub.f32 v34, v35  }
0x71: {  	v23 =	vld [tilespmem:$0x2B0];
	v9 =	vadd.f32 $9.999999970e-07, v9;
	v1 =	vadd.f32 v45, v1  }
0x72: {  	v49 =	vld [tilespmem:$0x190];
	v61 =	vmul.f32 v10, v10;
	v7 =	vadd.f32 $9.999999970e-07, v7;
	v3 =	vadd.f32 $9.999999970e-07, v3  }
0x73: {  	v9 =	vmul.f32 v9, v9;
	v10 =	vsub.f32 v62, v63;
	vm5 =	vlt.f32 v1, $9.999999970e-07;
	v1 =	vld [tilespmem:$0x290]  }
0x74: {  	v27 =	vld [tilespmem:$0x4C0];
	v44 =	vsub.f32 v29, v30;
	v12 =	vsub.f32 v41, v42;
	v3 =	vmul.f32 v3, v3  }
0x75: {  	v57 =	vld [tilespmem:$0x5A0];
	v10 =	vadd.f32 $9.999999970e-07, v10;
	v11 =	vsub.f32 v31, v32  }
0x76: {  	v37 =	vld [tilespmem:$0x2D0];
	v43 =	vsel vm15, $0x3F800000, v0;
	v12 =	vadd.f32 $9.999999970e-07, v12;
	v3 =	vadd.f32 v3, v9  }
0x77: {  	v8 =	vmul.f32 v8, v8;
	v26 =	vld [tilespmem:$0x3B0];
	v5 =	vadd.f32 v43, v13;
	v6 =	vsub.f32 v47, v49  }
0x78: {  	v33 =	vld [tilespmem:$0x4D0];
	v48 =	vsel vm4, $0x3F800000, v0;
	v1 =	vsub.f32 v50, v1;
	v3 =	vadd.f32 v61, v3  }
0x79: {  	v24 =	vld [tilespmem:$0x6B0];
	v6 =	vadd.f32 $9.999999970e-07, v6;
	vm6 =	vlt.f32 v2, $9.999999970e-07;
	v2 =	vadd.f32 $9.999999970e-07, v16  }
0x7a: {  	v42 =	vld [tilespmem:$0x4E0];
	v1 =	vadd.f32 $9.999999970e-07, v1;
	vm7 =	vlt.f32 v3, $9.999999970e-07;
	v3 =	vsub.f32 v52, v53  }
0x7b: {  	v43 =	vld [tilespmem:$0x1E0];
	v12 =	vmul.f32 v12, v12;
	v5 =	vadd.f32 v48, v5;
	v2 =	vmul.f32 v2, v2  }
0x7c: {  	v45 =	vld [tilespmem:$0x5E0];
	v6 =	vmul.f32 v6, v6;
	v1 =	vmul.f32 v1, v1;
	v3 =	vadd.f32 $9.999999970e-07, v3  }
0x7d: {  	v11 =	vadd.f32 $9.999999970e-07, v11;
	v49 =	vld [tilespmem:$0x6E0];
	v51 =	vsel vm5, $0x3F800000, v0;
	v2 =	vadd.f32 v12, v2  }
0x7e: {  	v5 =	vadd.f32 v51, v5;
	v51 =	vld [tilespmem:$0x3E0];
	v1 =	vadd.f32 v1, v6;
	v3 =	vmul.f32 v3, v3  }
0x7f: {  	v4 =	vsub.f32 v24, v26;
	v34 =	vld [tilespmem:$0x1D0];
	v2 =	vadd.f32 v8, v2  }
0x80: {  	v40 =	vmul.f32 v36, v36;
	v35 =	vld [tilespmem:$0x5D0];
	v1 =	vadd.f32 v3, v1;
	v3 =	vsub.f32 v57, v58  }
0x81: {  	v47 =	vld [tilespmem:$0x2E0];
	v59 =	vsub.f32 v42, v43;
	v4 =	vadd.f32 $9.999999970e-07, v4;
	v21 =	vsel vm6, $0x3F800000, v0  }
0x82: {  	v12 =	vsub.f32 v22, v23;
	vm8 =	vlt.f32 v2, $9.999999970e-07;
	v2 =	vld [tilespmem:$0x1C0];
	v3 =	vadd.f32 $9.999999970e-07, v3  }
0x83: {  	v7 =	vmul.f32 v7, v7;
	v60 =	vsub.f32 v49, v51;
	v5 =	vadd.f32 v21, v5  }
0x84: {  	vm9 =	vlt.f32 v1, $9.999999970e-07;
	v1 =	vadd.f32 $9.999999970e-07, v12;
	v3 =	vmul.f32 v3, v3  }
0x85: {  	v38 =	vld [tilespmem:$0x6D0];
	v10 =	vmul.f32 v10, v10;
	v46 =	vsub.f32 v33, v34;
	v48 =	vsub.f32 v35, v37  }
0x86: {  	v41 =	vld [tilespmem:$0x3D0];
	v6 =	vsub.f32 v45, v47;
	v1 =	vmul.f32 v1, v1;
	v3 =	vadd.f32 v3, v7  }
0x87: {  	v9 =	vadd.f32 $9.999999970e-07, v46;
	v2 =	vsub.f32 v27, v2  }
0x88: {  	v4 =	vmul.f32 v4, v4;
	v1 =	vadd.f32 v1, v10;
	v3 =	vadd.f32 v40, v3  }
0x89: {  	v11 =	vmul.f32 v11, v11;
	v6 =	vadd.f32 $9.999999970e-07, v6;
	v2 =	vadd.f32 $9.999999970e-07, v2  }
0x8a: {  	v55 =	vld [tilespmem:$0x5F0];
	v1 =	vadd.f32 v4, v1;
	vm10 =	vlt.f32 v3, $9.999999970e-07;
	v3 =	vadd.f32 $9.999999970e-07, v44  }
0x8b: {  	v54 =	vld [tilespmem:$0x1F0];
	v52 =	vsub.f32 v38, v41;
	v25 =	vsel vm7, $0x3F800000, v0;
	v2 =	vmul.f32 v2, v2  }
0x8c: {  	v53 =	vld [tilespmem:$0x4F0];
	vm11 =	vlt.f32 v1, $9.999999970e-07;
	v1 =	vadd.f32 $9.999999970e-07, v48;
	v3 =	vmul.f32 v3, v3  }
0x8d: {  	v9 =	vmul.f32 v9, v9;
	v28 =	vsel vm8, $0x3F800000, v0;
	v5 =	vadd.f32 v25, v5;
	v57 =	vld [tilespmem:$0x6F0]  }
0x8e: {  	v4 =	vadd.f32 $9.999999970e-07, v52;
	v1 =	vmul.f32 v1, v1;
	v2 =	vadd.f32 v3, v2;
	v3 =	vld [tilespmem:$0x2F0]  }
0x8f: {  	v6 =	vmul.f32 v6, v6;
	v5 =	vadd.f32 v28, v5;
	v58 =	vld [tilespmem:$0x3F0];
	v7 =	vadd.f32 $9.999999970e-07, v60  }
0x90: {  	v39 =	vsel vm9, $0x3F800000, v0;
	v4 =	vmul.f32 v4, v4;
	v1 =	vadd.f32 v1, v9  }
0x91: {  	v61 =	vsub.f32 v53, v54;
	v5 =	vadd.f32 v39, v5;
	v7 =	vmul.f32 v7, v7  }
0x92: {  	v50 =	vsel vm10, $0x3F800000, v0;
	v1 =	vadd.f32 v4, v1;
	v4 =	vadd.f32 $9.999999970e-07, v59  }
0x93: {  	v56 =	vsel vm11, $0x3F800000, v0;
	v2 =	vadd.f32 v11, v2;
	v3 =	vsub.f32 v55, v3  }
0x94: {  	v5 =	vadd.f32 v50, v5;
	v9 =	vsub.f32 v57, v58;
	v4 =	vmul.f32 v4, v4  }
0x95: {  	vm12 =	vlt.f32 v2, $9.999999970e-07;
	v2 =	vadd.f32 $9.999999970e-07, v61;
	v3 =	vadd.f32 $9.999999970e-07, v3  }
0x96: {  	v5 =	vadd.f32 v56, v5;
	v63 =	vadd.f32 $9.999999970e-07, v9;
	v62 =	vsel vm12, $0x3F800000, v0  }
0x97: {  	v4 =	vadd.f32 v6, v4;
	v2 =	vmul.f32 v2, v2;
	v3 =	vmul.f32 v3, v3  }
0x98: {  	vm13 =	vlt.f32 v1, $9.999999970e-07;
	v5 =	vadd.f32 v62, v5  }
0x99: {  	v1 =	vmul.f32 v63, v63;
	v4 =	vadd.f32 v7, v4;
	v2 =	vadd.f32 v3, v2  }
0x9a: {  	v3 =	vsel vm13, $0x3F800000, v0  }
0x9b: {  	vm14 =	vlt.f32 v4, $9.999999970e-07;
	v3 =	vadd.f32 v3, v5;
	v1 =	vadd.f32 v1, v2  }
0x9c: {  	v2 =	vsel vm14, $0x3F800000, v0  }
0x9d: {  	v2 =	vadd.f32 v2, v3;
	vm15 =	vlt.f32 v1, $9.999999970e-07  }
0x9e: {  	v1 =	vsel vm15, $0x3F800000, v0  }
0x9f: {  	v1 =	vadd.f32 v1, v2  }
0xa0: {  	p0 =	sne.s32 s11, $0x1  }
.Ltmp0:
0xa1: {  	[tilespmem:$0x700] =	vst v1;
	(pc) =	sbr.rel @p0 .LBB2_1-.Ltmp0, $4  }
0xa2: {  	[hbm4b:s10+s2] =	stream.linear.scatter [tilespmem:s20], [sflag:$0x2], $0x80, $0x38;
	[tilespmem:$0x780] =	vst v63  }
0xa3: {  	_ =	swait.ge [sflag:s12], $0x80  }
0xa4: {  	[sflag:s12] =	ssyncset.done $0x0  }
0xa5: {  	s11 =	sadd.s32 $0xFFFFFFFF, s11;
	[sflag:s12] =	ssyncadd.s32 $0xFFFFFF80  }
0xa6: {  	_ =	sfence.sel $0x180000  }
0xa7: {  	[bflag:$0x0] =	sbarrier.arrive $0xFFFF  }
0xa8: {  	p0 =	sne.s32 s1, $0x0;
	_ =	strace $0x90000047  }
0xa9: {  	s0 =	sadd.s32 @!p0 $0x100000, s0;
	[bflag:$0x2] =	sbarrier.arrive $0xFFFF  }
0xaa: {  	[sflag:s0] =	ssyncadd.tile.s32 @!p0 $0x1;
	_ =	shalt  }
.Lfunc_end2:
_tile_overlayer_lowered:
.L_overlay_start_2:
0xab: {  	(tag) =	ssettag $0x2  }
0xac: {  	s0 =	rddreg [dreg:$0x0];
	s2 =	stileid.u32  }
0xad: {  	s1 =	rddreg [dreg:$0x1];
	p0 =	sne.s32 s2, $0x0  }
0xae: {  	s3 =	rddreg [dreg:$0x2];
	[bflag:$0x3] =	sbarrier.arrive $0xFFFF;
	s2 =	simm.s32 @!p0 $0x1C02  }
0xaf: {  	[timem:s3], [sflag:s2] =	dma.local @!p0 [hbm:s0], s1  }
0xb0: {  	s0 =	simm.s32 @!p0 $0x2  }
0xb1: {  	_ =	swait.ge @!p0 [sflag:s0], s1  }
0xb2: {  	s1 =	ssub.s32 @!p0 $0x0, s1;
	[sflag:s0] =	ssyncset.done @!p0 $0x0  }
0xb3: {  	[sflag:s0] =	ssyncadd.s32 @!p0 s1  }
0xb4: {  	[bflag:$0x3] =	sbarrier.arrive $0xFFFF  }
0xb5: {  	_ =	shalt  }

</sc_bundles>
